<compile_context>
chip_gen: v7x
topology: tpu7x:2x2x1
jax: 0.10.2.dev20260603
libtpu: 0.0.44.dev20260713+nightly
codegen_flags: <defaults>
</compile_context>

<pallas_src>
import functools

import jax
import jax.numpy as jnp
from jax import lax
from jax.experimental import pallas as pl
from jax.experimental.pallas import tpu as pltpu
from jax.experimental.pallas import tpu_sc as plsc

_NC = 2
_NS = 16
_CH = 80


def _pack_edges(src, dst):
    e = src.shape[0]
    nch = e // _CH
    return jnp.concatenate(
        [src.reshape(nch, 1, _CH), dst.reshape(nch, 1, _CH),
         jnp.zeros((nch, 6, _CH), jnp.int32)], axis=1)


def _segment_sum_sc(h, pk, zeros):
    n, d = h.shape
    e = pk.shape[0] * _CH
    epw = e // (_NC * _NS)
    nchunk = epw // _CH
    npad = -(-n // (_NS * 8)) * (_NS * 8)
    rows_per_sub = npad // _NS

    mesh = plsc.VectorSubcoreMesh(core_axis_name="c", subcore_axis_name="s")

    @functools.partial(
        pl.kernel,
        out_type=jax.ShapeDtypeStruct((_NC, npad, d), jnp.float32),
        mesh=mesh,
        scratch_types=[
            pltpu.VMEM((8, _CH), jnp.int32),
            pltpu.VMEM((_CH, d), jnp.float32),
            pltpu.VMEM_SHARED((npad, d), jnp.float32),
        ],
    )
    def seg_kernel(h_hbm, pk_hbm, z_hbm, out_hbm, ibuf, rows, acc):
        c = lax.axis_index("c")
        s = lax.axis_index("s")

        pltpu.sync_copy(
            z_hbm.at[pl.ds(s * rows_per_sub, rows_per_sub)],
            acc.at[pl.ds(s * rows_per_sub, rows_per_sub)],
        )
        plsc.subcore_barrier()

        cbase = (c * _NS + s) * nchunk

        @pl.loop(0, nchunk)
        def _(i):
            pltpu.sync_copy(pk_hbm.at[cbase + i], ibuf)
            pltpu.sync_copy(h_hbm.at[ibuf.at[0]], rows)
            pltpu.sync_copy(rows, acc.at[ibuf.at[1]], add=True)

        plsc.subcore_barrier()

        pltpu.sync_copy(
            acc.at[pl.ds(s * rows_per_sub, rows_per_sub)],
            out_hbm.at[c].at[pl.ds(s * rows_per_sub, rows_per_sub)],
        )

    return seg_kernel(h, pk, zeros)


def _gin_dense_body(h_ref, p_ref, wa_ref, ba_ref, wb_ref, bb_ref, o_ref):
    z = h_ref[...] + p_ref[0] + p_ref[1]
    z = jnp.dot(z, wa_ref[...], preferred_element_type=jnp.float32,
                precision=lax.Precision.HIGHEST) + ba_ref[...]
    z = jnp.maximum(z, 0.0)
    z = jnp.dot(z, wb_ref[...], preferred_element_type=jnp.float32,
                precision=lax.Precision.HIGHEST) + bb_ref[...]
    o_ref[...] = jnp.maximum(z, 0.0)


def _gin_dense(h, parts, wa, ba, wb, bb, block):
    n, d = h.shape
    grid = (n // block,)
    return pl.pallas_call(
        _gin_dense_body,
        grid=grid,
        in_specs=[
            pl.BlockSpec((block, d), lambda i: (i, 0)),
            pl.BlockSpec((_NC, block, d), lambda i: (0, i, 0)),
            pl.BlockSpec((d, d), lambda i: (0, 0)),
            pl.BlockSpec((1, d), lambda i: (0, 0)),
            pl.BlockSpec((d, d), lambda i: (0, 0)),
            pl.BlockSpec((1, d), lambda i: (0, 0)),
        ],
        out_specs=pl.BlockSpec((block, d), lambda i: (i, 0)),
        out_shape=jax.ShapeDtypeStruct((n, d), jnp.float32),
    )(h, parts, wa, ba, wb, bb)


def _final_body(h_ref, p_ref, wa_ref, ba_ref, wb_ref, bb_ref,
                fw_ref, fb_ref, o_ref):
    z = h_ref[...] + p_ref[0] + p_ref[1]
    z = jnp.dot(z, wa_ref[...], preferred_element_type=jnp.float32,
                precision=lax.Precision.HIGHEST) + ba_ref[...]
    z = jnp.maximum(z, 0.0)
    z = jnp.dot(z, wb_ref[...], preferred_element_type=jnp.float32,
                precision=lax.Precision.HIGHEST) + bb_ref[...]
    z = jnp.maximum(z, 0.0)
    logits = jnp.dot(z, fw_ref[...], preferred_element_type=jnp.float32,
                     precision=lax.Precision.HIGHEST) + fb_ref[...]
    m = jnp.max(logits, axis=1, keepdims=True)
    shifted = logits - m
    lse = jnp.log(jnp.sum(jnp.exp(shifted), axis=1, keepdims=True))
    o_ref[...] = shifted - lse


def _final_layer(h, parts, wa, ba, wb, bb, fw, fb, block):
    n, d = h.shape
    c = fw.shape[1]
    grid = (n // block,)
    return pl.pallas_call(
        _final_body,
        grid=grid,
        in_specs=[
            pl.BlockSpec((block, d), lambda i: (i, 0)),
            pl.BlockSpec((_NC, block, d), lambda i: (0, i, 0)),
            pl.BlockSpec((d, d), lambda i: (0, 0)),
            pl.BlockSpec((1, d), lambda i: (0, 0)),
            pl.BlockSpec((d, d), lambda i: (0, 0)),
            pl.BlockSpec((1, d), lambda i: (0, 0)),
            pl.BlockSpec((d, c), lambda i: (0, 0)),
            pl.BlockSpec((1, c), lambda i: (0, 0)),
        ],
        out_specs=pl.BlockSpec((block, c), lambda i: (i, 0)),
        out_shape=jax.ShapeDtypeStruct((n, c), jnp.float32),
    )(h, parts, wa, ba, wb, bb, fw, fb)


def kernel(x, edge_index, w1a, b1a, w1b, b1b, w2a, b2a, w2b, b2b,
           w3a, b3a, w3b, b3b, fc_w, fc_b):
    src = edge_index[0]
    dst = edge_index[1]
    block = 2000

    b1a_ = b1a.reshape(1, -1)
    b1b_ = b1b.reshape(1, -1)
    b2a_ = b2a.reshape(1, -1)
    b2b_ = b2b.reshape(1, -1)
    b3a_ = b3a.reshape(1, -1)
    b3b_ = b3b.reshape(1, -1)
    fc_b_ = fc_b.reshape(1, -1)

    n = x.shape[0]
    npad = -(-n // (_NS * 8)) * (_NS * 8)
    zeros = jnp.zeros((npad, x.shape[1]), jnp.float32)
    pk = _pack_edges(src, dst)

    h = x
    parts = _segment_sum_sc(h, pk, zeros)
    h = _gin_dense(h, parts, w1a, b1a_, w1b, b1b_, block)
    parts = _segment_sum_sc(h, pk, zeros)
    h = _gin_dense(h, parts, w2a, b2a_, w2b, b2b_, block)
    parts = _segment_sum_sc(h, pk, zeros)
    return _final_layer(h, parts, w3a, b3a_, w3b, b3b_, fc_w, fc_b_, block)

# --- scband reference (transcript-rebuilt; emitter-appended) ---
"""Pipeline reference for scband-gcn-27169963114932 (READ-ONLY COPY).

The authoritative reference and input builder live on the scoring server;
editing this copy changes nothing except your own understanding.
"""

import jax, jax.numpy as jnp
import numpy as np

N = 10000
E = 320000
D = 128
H = 128
C = 40


def setup_inputs(seed: int = 0) -> dict:
    key = jax.random.key(seed)
    ks = jax.random.split(key, 20)
    x = jax.random.normal(ks[0], (N, D), dtype=jnp.float32)
    edge_index = jax.random.randint(ks[1], (2, E), 0, N, dtype=jnp.int32)
    def lin(k, fan_in, fan_out):
        kw, kb = jax.random.split(k)
        bound = 1.0 / np.sqrt(fan_in)
        w = jax.random.uniform(kw, (fan_in, fan_out), jnp.float32, -bound, bound)
        b = jax.random.uniform(kb, (fan_out,), jnp.float32, -bound, bound)
        return w, b
    w1a, b1a = lin(ks[2], D, H)
    w1b, b1b = lin(ks[3], H, H)
    w2a, b2a = lin(ks[4], H, H)
    w2b, b2b = lin(ks[5], H, H)
    w3a, b3a = lin(ks[6], H, H)
    w3b, b3b = lin(ks[7], H, H)
    fc_w, fc_b = lin(ks[8], H, C)
    return {"x": x, "edge_index": edge_index,
            "w1a": w1a, "b1a": b1a, "w1b": w1b, "b1b": b1b,
            "w2a": w2a, "b2a": b2a, "w2b": w2b, "b2b": b2b,
            "w3a": w3a, "b3a": b3a, "w3b": w3b, "b3b": b3b,
            "fc_w": fc_w, "fc_b": fc_b}


def reference(x, edge_index, w1a, b1a, w1b, b1b, w2a, b2a, w2b, b2b, w3a, b3a, w3b, b3b, fc_w, fc_b):
    # GCN with conv_type='GIN': 3 GINConv layers (eps=0) + ReLU (dropout p=0 is a no-op), then Linear + log_softmax.
    src = edge_index[0]
    dst = edge_index[1]
    n = x.shape[0]

    def gin(h, wa, ba, wb, bb):
        # sum-aggregate neighbor messages: gather at src, scatter-add at dst
        agg = jax.ops.segment_sum(h[src], dst, num_segments=n)
        z = h + agg  # (1 + eps) * x + sum_j x_j, eps = 0
        z = jnp.maximum(z @ wa + ba, 0.0)
        z = z @ wb + bb
        return z

    h = x
    for (wa, ba, wb, bb) in ((w1a, b1a, w1b, b1b), (w2a, b2a, w2b, b2b), (w3a, b3a, w3b, b3b)):
        h = gin(h, wa, ba, wb, bb)
        h = jnp.maximum(h, 0.0)  # F.relu; F.dropout with p=0 is identity
    logits = h @ fc_w + fc_b
    return jax.nn.log_softmax(logits, axis=1)

if __name__ == "__main__":
    import jax
    _d = setup_inputs()
    print(jax.jit(kernel)(*tuple(_d.values())))

</pallas_src>

<mosaic_0001>
#map = affine_map<(d0, d1) -> (0, 0)>
#map1 = affine_map<(d0, d1) -> (0, 0, 0)>
module attributes {stable_mosaic.version = 14 : i64} {
  func.func @seg_kernel(%arg0: i32, %arg1: i32, %arg2: memref<10000x128xf32, #tpu.memory_space<hbm>>, %arg3: memref<4000x8x80xi32, #tpu.memory_space<hbm>>, %arg4: memref<10112x128xf32, #tpu.memory_space<hbm>>, %arg5: memref<2x10112x128xf32, #tpu.memory_space<hbm>>, %arg6: memref<8x80xi32, #tpu.memory_space<vmem>>, %arg7: memref<80x128xf32, #tpu.memory_space<vmem>>, %arg8: memref<10112x128xf32, #tpu.memory_space<vmem_shared>>) attributes {dimension_semantics = [#tpu.dimension_semantics<core_parallel>, #tpu.dimension_semantics<subcore_parallel>], iteration_bounds = array<i64: 2, 16>, scalar_prefetch = 0 : i64, scratch_operands = 3 : i64, tpu.core_type = #tpu.core_type<sc_vector_subcore>, window_params = [{transform_indices = #map}, {transform_indices = #map1}, {transform_indices = #map}, {transform_indices = #map1}]} {
    %mul3A = arith.constant 632 : i32
    %mul3A_0 = arith.muli %arg1, %mul3A : i32
    %mul3A_1 = arith.constant 632 : i32
    %mul3A_2 = arith.muli %arg1, %mul3A_1 : i32
    "tpu.region"() ({
      %run_scoped3A = tpu.sem_alloc : memref<!tpu.dma_semaphore, #tpu.memory_space<semaphore_mem>>
      %dma_start3A = arith.constant 0 : i32
      %dma_start3A_16 = tpu.memref_slice %arg8[%mul3A_2, %dma_start3A] : memref<10112x128xf32, #tpu.memory_space<vmem_shared>> -> memref<632x128xf32, #tpu.memory_space<vmem_shared>>
      %dma_start3A_17 = arith.constant 0 : i32
      %dma_start3A_18 = tpu.memref_slice %arg4[%mul3A_0, %dma_start3A_17] : memref<10112x128xf32, #tpu.memory_space<hbm>> -> memref<632x128xf32, #tpu.memory_space<hbm>>
      tpu.enqueue_dma source(%dma_start3A_18 : memref<632x128xf32, #tpu.memory_space<hbm>>) target(%dma_start3A_16 : memref<632x128xf32, #tpu.memory_space<vmem_shared>>) target_semaphore(%run_scoped3A : memref<!tpu.dma_semaphore, #tpu.memory_space<semaphore_mem>>)
      %dma_wait3A = arith.constant 0 : i32
      %dma_wait3A_19 = tpu.memref_slice %arg8[%mul3A_2, %dma_wait3A] : memref<10112x128xf32, #tpu.memory_space<vmem_shared>> -> memref<632x128xf32, #tpu.memory_space<vmem_shared>>
      %dma_wait3A_20 = arith.constant 0 : i32
      %dma_wait3A_21 = tpu.memref_slice %arg4[%mul3A_0, %dma_wait3A_20] : memref<10112x128xf32, #tpu.memory_space<hbm>> -> memref<632x128xf32, #tpu.memory_space<hbm>>
      tpu.wait_dma2 semaphore(%run_scoped3A : memref<!tpu.dma_semaphore, #tpu.memory_space<semaphore_mem>>) src(%dma_wait3A_21 : memref<632x128xf32, #tpu.memory_space<hbm>>) dst(%dma_wait3A_19 : memref<632x128xf32, #tpu.memory_space<vmem_shared>>)
      tpu.yield
    }) : () -> ()
    %barrier3A = arith.constant 0 : index
    tpu.barrier barrier_id(%barrier3A)
    %mul3A_3 = arith.constant 16 : i32
    %mul3A_4 = arith.muli %arg0, %mul3A_3 : i32
    %add3A = arith.addi %mul3A_4, %arg1 : i32
    %mul3A_5 = arith.constant 125 : i32
    %mul3A_6 = arith.muli %add3A, %mul3A_5 : i32
    %scan3A = arith.constant 0 : i32
    %scan3A_7 = arith.constant 125 : i32
    %scan3A_8 = arith.addi %scan3A, %scan3A_7 : i32
    %scan3A_9 = arith.constant 1 : i32
    scf.for %scan3A_16 = %scan3A to %scan3A_8 step %scan3A_9  : i32 {
      %mul3A_17 = arith.constant 1 : i32
      %mul3A_18 = arith.muli %scan3A_16, %mul3A_17 : i32
      %add3A_19 = arith.constant 0 : i32
      %add3A_20 = arith.addi %add3A_19, %mul3A_18 : i32
      %add3A_21 = arith.addi %mul3A_6, %add3A_20 : i32
      "tpu.region"() ({
        %run_scoped3A_23 = tpu.sem_alloc : memref<!tpu.dma_semaphore, #tpu.memory_space<semaphore_mem>>
        %dma_start3A = arith.constant 0 : i32
        %dma_start3A_24 = arith.constant 0 : i32
        %dma_start3A_25 = tpu.memref_slice %arg3[%add3A_21, %dma_start3A, %dma_start3A_24] : memref<4000x8x80xi32, #tpu.memory_space<hbm>> -> memref<1x8x80xi32, #tpu.memory_space<hbm>>
        %dma_start3A_26 = tpu.memref_squeeze %dma_start3A_25 : memref<1x8x80xi32, #tpu.memory_space<hbm>> -> memref<8x80xi32, #tpu.memory_space<hbm>>
        %dma_start3A_27 = arith.constant 0 : i32
        %dma_start3A_28 = arith.constant 0 : i32
        %dma_start3A_29 = tpu.memref_slice %arg3[%add3A_21, %dma_start3A_27, %dma_start3A_28] : memref<4000x8x80xi32, #tpu.memory_space<hbm>> -> memref<1x8x80xi32, #tpu.memory_space<hbm>>
        %dma_start3A_30 = tpu.memref_squeeze %dma_start3A_29 : memref<1x8x80xi32, #tpu.memory_space<hbm>> -> memref<8x80xi32, #tpu.memory_space<hbm>>
        tpu.enqueue_dma source(%dma_start3A_30 : memref<8x80xi32, #tpu.memory_space<hbm>>) target(%arg6 : memref<8x80xi32, #tpu.memory_space<vmem>>) target_semaphore(%run_scoped3A_23 : memref<!tpu.dma_semaphore, #tpu.memory_space<semaphore_mem>>)
        %dma_wait3A = arith.constant 0 : i32
        %dma_wait3A_31 = arith.constant 0 : i32
        %dma_wait3A_32 = tpu.memref_slice %arg3[%add3A_21, %dma_wait3A, %dma_wait3A_31] : memref<4000x8x80xi32, #tpu.memory_space<hbm>> -> memref<1x8x80xi32, #tpu.memory_space<hbm>>
        %dma_wait3A_33 = tpu.memref_squeeze %dma_wait3A_32 : memref<1x8x80xi32, #tpu.memory_space<hbm>> -> memref<8x80xi32, #tpu.memory_space<hbm>>
        %dma_wait3A_34 = arith.constant 0 : i32
        %dma_wait3A_35 = arith.constant 0 : i32
        %dma_wait3A_36 = tpu.memref_slice %arg3[%add3A_21, %dma_wait3A_34, %dma_wait3A_35] : memref<4000x8x80xi32, #tpu.memory_space<hbm>> -> memref<1x8x80xi32, #tpu.memory_space<hbm>>
        %dma_wait3A_37 = tpu.memref_squeeze %dma_wait3A_36 : memref<1x8x80xi32, #tpu.memory_space<hbm>> -> memref<8x80xi32, #tpu.memory_space<hbm>>
        tpu.wait_dma2 semaphore(%run_scoped3A_23 : memref<!tpu.dma_semaphore, #tpu.memory_space<semaphore_mem>>) src(%dma_wait3A_37 : memref<8x80xi32, #tpu.memory_space<hbm>>) dst(%arg6 : memref<8x80xi32, #tpu.memory_space<vmem>>)
        tpu.yield
      }) : () -> ()
      %run_scoped3A = arith.constant 0 : i32
      "tpu.region"() ({
        %run_scoped3A_23 = tpu.sem_alloc : memref<!tpu.dma_semaphore, #tpu.memory_space<semaphore_mem>>
        %dma_start3A = arith.constant 0 : i32
        %dma_start3A_24 = tpu.memref_slice %arg6[%run_scoped3A, %dma_start3A] : memref<8x80xi32, #tpu.memory_space<vmem>> -> memref<1x80xi32, #tpu.memory_space<vmem>>
        %dma_start3A_25 = tpu.memref_squeeze %dma_start3A_24 : memref<1x80xi32, #tpu.memory_space<vmem>> -> memref<80xi32, #tpu.memory_space<vmem>>
        %dma_start3A_26 = arith.constant 0 : i32
        %dma_start3A_27 = arith.constant 0 : i32
        %dma_start3A_28 = tpu.memref_slice %arg2[%dma_start3A_26, %dma_start3A_27] : memref<10000x128xf32, #tpu.memory_space<hbm>> -> memref<10000x128xf32, #tpu.memory_space<hbm>>
        tpu.enqueue_indirect_dma source(%dma_start3A_28 : memref<10000x128xf32, #tpu.memory_space<hbm>>) target(%arg7 : memref<80x128xf32, #tpu.memory_space<vmem>>) offsets(%dma_start3A_25 : memref<80xi32, #tpu.memory_space<vmem>>) semaphore(%run_scoped3A_23 : memref<!tpu.dma_semaphore, #tpu.memory_space<semaphore_mem>>)
        %dma_wait3A = arith.constant 0 : i32
        %dma_wait3A_29 = tpu.memref_slice %arg6[%run_scoped3A, %dma_wait3A] : memref<8x80xi32, #tpu.memory_space<vmem>> -> memref<1x80xi32, #tpu.memory_space<vmem>>
        %dma_wait3A_30 = tpu.memref_squeeze %dma_wait3A_29 : memref<1x80xi32, #tpu.memory_space<vmem>> -> memref<80xi32, #tpu.memory_space<vmem>>
        %dma_wait3A_31 = arith.constant 0 : i32
        %dma_wait3A_32 = arith.constant 0 : i32
        %dma_wait3A_33 = tpu.memref_slice %arg2[%dma_wait3A_31, %dma_wait3A_32] : memref<10000x128xf32, #tpu.memory_space<hbm>> -> memref<10000x128xf32, #tpu.memory_space<hbm>>
        tpu.wait_indirect_dma semaphore(%run_scoped3A_23 : memref<!tpu.dma_semaphore, #tpu.memory_space<semaphore_mem>>) src(%dma_wait3A_33 : memref<10000x128xf32, #tpu.memory_space<hbm>>) dst(%arg7 : memref<80x128xf32, #tpu.memory_space<vmem>>)
        tpu.yield
      }) : () -> ()
      %run_scoped3A_22 = arith.constant 1 : i32
      "tpu.region"() ({
        %run_scoped3A_23 = tpu.sem_alloc : memref<!tpu.dma_semaphore, #tpu.memory_space<semaphore_mem>>
        %dma_start3A = arith.constant 0 : i32
        %dma_start3A_24 = tpu.memref_slice %arg6[%run_scoped3A_22, %dma_start3A] : memref<8x80xi32, #tpu.memory_space<vmem>> -> memref<1x80xi32, #tpu.memory_space<vmem>>
        %dma_start3A_25 = tpu.memref_squeeze %dma_start3A_24 : memref<1x80xi32, #tpu.memory_space<vmem>> -> memref<80xi32, #tpu.memory_space<vmem>>
        %dma_start3A_26 = arith.constant 0 : i32
        %dma_start3A_27 = arith.constant 0 : i32
        %dma_start3A_28 = tpu.memref_slice %arg8[%dma_start3A_26, %dma_start3A_27] : memref<10112x128xf32, #tpu.memory_space<vmem_shared>> -> memref<10112x128xf32, #tpu.memory_space<vmem_shared>>
        tpu.enqueue_indirect_dma source(%arg7 : memref<80x128xf32, #tpu.memory_space<vmem>>) target(%dma_start3A_28 : memref<10112x128xf32, #tpu.memory_space<vmem_shared>>) offsets(%dma_start3A_25 : memref<80xi32, #tpu.memory_space<vmem>>) semaphore(%run_scoped3A_23 : memref<!tpu.dma_semaphore, #tpu.memory_space<semaphore_mem>>) {add = true}
        %dma_wait3A = arith.constant 0 : i32
        %dma_wait3A_29 = tpu.memref_slice %arg6[%run_scoped3A_22, %dma_wait3A] : memref<8x80xi32, #tpu.memory_space<vmem>> -> memref<1x80xi32, #tpu.memory_space<vmem>>
        %dma_wait3A_30 = tpu.memref_squeeze %dma_wait3A_29 : memref<1x80xi32, #tpu.memory_space<vmem>> -> memref<80xi32, #tpu.memory_space<vmem>>
        %dma_wait3A_31 = arith.constant 0 : i32
        %dma_wait3A_32 = arith.constant 0 : i32
        %dma_wait3A_33 = tpu.memref_slice %arg8[%dma_wait3A_31, %dma_wait3A_32] : memref<10112x128xf32, #tpu.memory_space<vmem_shared>> -> memref<10112x128xf32, #tpu.memory_space<vmem_shared>>
        tpu.wait_indirect_dma semaphore(%run_scoped3A_23 : memref<!tpu.dma_semaphore, #tpu.memory_space<semaphore_mem>>) src(%arg7 : memref<80x128xf32, #tpu.memory_space<vmem>>) dst(%dma_wait3A_33 : memref<10112x128xf32, #tpu.memory_space<vmem_shared>>)
        tpu.yield
      }) : () -> ()
    }
    %scan3A_10 = arith.constant 125 : i32
    %barrier3A_11 = arith.constant 0 : index
    tpu.barrier barrier_id(%barrier3A_11)
    %mul3A_12 = arith.constant 632 : i32
    %mul3A_13 = arith.muli %arg1, %mul3A_12 : i32
    %mul3A_14 = arith.constant 632 : i32
    %mul3A_15 = arith.muli %arg1, %mul3A_14 : i32
    "tpu.region"() ({
      %run_scoped3A = tpu.sem_alloc : memref<!tpu.dma_semaphore, #tpu.memory_space<semaphore_mem>>
      %dma_start3A = arith.constant 0 : i32
      %dma_start3A_16 = arith.constant 0 : i32
      %dma_start3A_17 = tpu.memref_slice %arg5[%arg0, %dma_start3A, %dma_start3A_16] : memref<2x10112x128xf32, #tpu.memory_space<hbm>> -> memref<1x10112x128xf32, #tpu.memory_space<hbm>>
      %dma_start3A_18 = tpu.memref_squeeze %dma_start3A_17 : memref<1x10112x128xf32, #tpu.memory_space<hbm>> -> memref<10112x128xf32, #tpu.memory_space<hbm>>
      %dma_start3A_19 = arith.constant 0 : i32
      %dma_start3A_20 = tpu.memref_slice %dma_start3A_18[%mul3A_15, %dma_start3A_19] : memref<10112x128xf32, #tpu.memory_space<hbm>> -> memref<632x128xf32, #tpu.memory_space<hbm>>
      %dma_start3A_21 = arith.constant 0 : i32
      %dma_start3A_22 = tpu.memref_slice %arg8[%mul3A_13, %dma_start3A_21] : memref<10112x128xf32, #tpu.memory_space<vmem_shared>> -> memref<632x128xf32, #tpu.memory_space<vmem_shared>>
      tpu.enqueue_dma source(%dma_start3A_22 : memref<632x128xf32, #tpu.memory_space<vmem_shared>>) target(%dma_start3A_20 : memref<632x128xf32, #tpu.memory_space<hbm>>) target_semaphore(%run_scoped3A : memref<!tpu.dma_semaphore, #tpu.memory_space<semaphore_mem>>)
      %dma_wait3A = arith.constant 0 : i32
      %dma_wait3A_23 = arith.constant 0 : i32
      %dma_wait3A_24 = tpu.memref_slice %arg5[%arg0, %dma_wait3A, %dma_wait3A_23] : memref<2x10112x128xf32, #tpu.memory_space<hbm>> -> memref<1x10112x128xf32, #tpu.memory_space<hbm>>
      %dma_wait3A_25 = tpu.memref_squeeze %dma_wait3A_24 : memref<1x10112x128xf32, #tpu.memory_space<hbm>> -> memref<10112x128xf32, #tpu.memory_space<hbm>>
      %dma_wait3A_26 = arith.constant 0 : i32
      %dma_wait3A_27 = tpu.memref_slice %dma_wait3A_25[%mul3A_15, %dma_wait3A_26] : memref<10112x128xf32, #tpu.memory_space<hbm>> -> memref<632x128xf32, #tpu.memory_space<hbm>>
      %dma_wait3A_28 = arith.constant 0 : i32
      %dma_wait3A_29 = tpu.memref_slice %arg8[%mul3A_13, %dma_wait3A_28] : memref<10112x128xf32, #tpu.memory_space<vmem_shared>> -> memref<632x128xf32, #tpu.memory_space<vmem_shared>>
      tpu.wait_dma2 semaphore(%run_scoped3A : memref<!tpu.dma_semaphore, #tpu.memory_space<semaphore_mem>>) src(%dma_wait3A_29 : memref<632x128xf32, #tpu.memory_space<vmem_shared>>) dst(%dma_wait3A_27 : memref<632x128xf32, #tpu.memory_space<hbm>>)
      tpu.yield
    }) : () -> ()
    return
  }
}

#map = affine_map<(d0, d1) -> (0, 0)>
#map1 = affine_map<(d0, d1) -> (0, 0, 0)>
module attributes {stable_mosaic.version = 14 : i64} {
  func.func @seg_kernel(%arg0: i32, %arg1: i32, %arg2: memref<10000x128xf32, #tpu.memory_space<hbm>>, %arg3: memref<4000x8x80xi32, #tpu.memory_space<hbm>>, %arg4: memref<10112x128xf32, #tpu.memory_space<hbm>>, %arg5: memref<2x10112x128xf32, #tpu.memory_space<hbm>>, %arg6: memref<8x80xi32, #tpu.memory_space<vmem>>, %arg7: memref<80x128xf32, #tpu.memory_space<vmem>>, %arg8: memref<10112x128xf32, #tpu.memory_space<vmem_shared>>) attributes {dimension_semantics = [#tpu.dimension_semantics<core_parallel>, #tpu.dimension_semantics<subcore_parallel>], iteration_bounds = array<i64: 2, 16>, scalar_prefetch = 0 : i64, scratch_operands = 3 : i64, tpu.core_type = #tpu.core_type<sc_vector_subcore>, window_params = [{transform_indices = #map}, {transform_indices = #map1}, {transform_indices = #map}, {transform_indices = #map1}]} {
    %mul3A = arith.constant 632 : i32
    %mul3A_0 = arith.muli %arg1, %mul3A : i32
    %mul3A_1 = arith.constant 632 : i32
    %mul3A_2 = arith.muli %arg1, %mul3A_1 : i32
    "tpu.region"() ({
      %run_scoped3A = tpu.sem_alloc : memref<!tpu.dma_semaphore, #tpu.memory_space<semaphore_mem>>
      %dma_start3A = arith.constant 0 : i32
      %dma_start3A_16 = tpu.memref_slice %arg8[%mul3A_2, %dma_start3A] : memref<10112x128xf32, #tpu.memory_space<vmem_shared>> -> memref<632x128xf32, #tpu.memory_space<vmem_shared>>
      %dma_start3A_17 = arith.constant 0 : i32
      %dma_start3A_18 = tpu.memref_slice %arg4[%mul3A_0, %dma_start3A_17] : memref<10112x128xf32, #tpu.memory_space<hbm>> -> memref<632x128xf32, #tpu.memory_space<hbm>>
      tpu.enqueue_dma source(%dma_start3A_18 : memref<632x128xf32, #tpu.memory_space<hbm>>) target(%dma_start3A_16 : memref<632x128xf32, #tpu.memory_space<vmem_shared>>) target_semaphore(%run_scoped3A : memref<!tpu.dma_semaphore, #tpu.memory_space<semaphore_mem>>)
      %dma_wait3A = arith.constant 0 : i32
      %dma_wait3A_19 = tpu.memref_slice %arg8[%mul3A_2, %dma_wait3A] : memref<10112x128xf32, #tpu.memory_space<vmem_shared>> -> memref<632x128xf32, #tpu.memory_space<vmem_shared>>
      %dma_wait3A_20 = arith.constant 0 : i32
      %dma_wait3A_21 = tpu.memref_slice %arg4[%mul3A_0, %dma_wait3A_20] : memref<10112x128xf32, #tpu.memory_space<hbm>> -> memref<632x128xf32, #tpu.memory_space<hbm>>
      tpu.wait_dma2 semaphore(%run_scoped3A : memref<!tpu.dma_semaphore, #tpu.memory_space<semaphore_mem>>) src(%dma_wait3A_21 : memref<632x128xf32, #tpu.memory_space<hbm>>) dst(%dma_wait3A_19 : memref<632x128xf32, #tpu.memory_space<vmem_shared>>)
      tpu.yield
    }) : () -> ()
    %barrier3A = arith.constant 0 : index
    tpu.barrier barrier_id(%barrier3A)
    %mul3A_3 = arith.constant 16 : i32
    %mul3A_4 = arith.muli %arg0, %mul3A_3 : i32
    %add3A = arith.addi %mul3A_4, %arg1 : i32
    %mul3A_5 = arith.constant 125 : i32
    %mul3A_6 = arith.muli %add3A, %mul3A_5 : i32
    %scan3A = arith.constant 0 : i32
    %scan3A_7 = arith.constant 125 : i32
    %scan3A_8 = arith.addi %scan3A, %scan3A_7 : i32
    %scan3A_9 = arith.constant 1 : i32
    scf.for %scan3A_16 = %scan3A to %scan3A_8 step %scan3A_9  : i32 {
      %mul3A_17 = arith.constant 1 : i32
      %mul3A_18 = arith.muli %scan3A_16, %mul3A_17 : i32
      %add3A_19 = arith.constant 0 : i32
      %add3A_20 = arith.addi %add3A_19, %mul3A_18 : i32
      %add3A_21 = arith.addi %mul3A_6, %add3A_20 : i32
      "tpu.region"() ({
        %run_scoped3A_23 = tpu.sem_alloc : memref<!tpu.dma_semaphore, #tpu.memory_space<semaphore_mem>>
        %dma_start3A = arith.constant 0 : i32
        %dma_start3A_24 = arith.constant 0 : i32
        %dma_start3A_25 = tpu.memref_slice %arg3[%add3A_21, %dma_start3A, %dma_start3A_24] : memref<4000x8x80xi32, #tpu.memory_space<hbm>> -> memref<1x8x80xi32, #tpu.memory_space<hbm>>
        %dma_start3A_26 = tpu.memref_squeeze %dma_start3A_25 : memref<1x8x80xi32, #tpu.memory_space<hbm>> -> memref<8x80xi32, #tpu.memory_space<hbm>>
        %dma_start3A_27 = arith.constant 0 : i32
        %dma_start3A_28 = arith.constant 0 : i32
        %dma_start3A_29 = tpu.memref_slice %arg3[%add3A_21, %dma_start3A_27, %dma_start3A_28] : memref<4000x8x80xi32, #tpu.memory_space<hbm>> -> memref<1x8x80xi32, #tpu.memory_space<hbm>>
        %dma_start3A_30 = tpu.memref_squeeze %dma_start3A_29 : memref<1x8x80xi32, #tpu.memory_space<hbm>> -> memref<8x80xi32, #tpu.memory_space<hbm>>
        tpu.enqueue_dma source(%dma_start3A_30 : memref<8x80xi32, #tpu.memory_space<hbm>>) target(%arg6 : memref<8x80xi32, #tpu.memory_space<vmem>>) target_semaphore(%run_scoped3A_23 : memref<!tpu.dma_semaphore, #tpu.memory_space<semaphore_mem>>)
        %dma_wait3A = arith.constant 0 : i32
        %dma_wait3A_31 = arith.constant 0 : i32
        %dma_wait3A_32 = tpu.memref_slice %arg3[%add3A_21, %dma_wait3A, %dma_wait3A_31] : memref<4000x8x80xi32, #tpu.memory_space<hbm>> -> memref<1x8x80xi32, #tpu.memory_space<hbm>>
        %dma_wait3A_33 = tpu.memref_squeeze %dma_wait3A_32 : memref<1x8x80xi32, #tpu.memory_space<hbm>> -> memref<8x80xi32, #tpu.memory_space<hbm>>
        %dma_wait3A_34 = arith.constant 0 : i32
        %dma_wait3A_35 = arith.constant 0 : i32
        %dma_wait3A_36 = tpu.memref_slice %arg3[%add3A_21, %dma_wait3A_34, %dma_wait3A_35] : memref<4000x8x80xi32, #tpu.memory_space<hbm>> -> memref<1x8x80xi32, #tpu.memory_space<hbm>>
        %dma_wait3A_37 = tpu.memref_squeeze %dma_wait3A_36 : memref<1x8x80xi32, #tpu.memory_space<hbm>> -> memref<8x80xi32, #tpu.memory_space<hbm>>
        tpu.wait_dma2 semaphore(%run_scoped3A_23 : memref<!tpu.dma_semaphore, #tpu.memory_space<semaphore_mem>>) src(%dma_wait3A_37 : memref<8x80xi32, #tpu.memory_space<hbm>>) dst(%arg6 : memref<8x80xi32, #tpu.memory_space<vmem>>)
        tpu.yield
      }) : () -> ()
      %run_scoped3A = arith.constant 0 : i32
      "tpu.region"() ({
        %run_scoped3A_23 = tpu.sem_alloc : memref<!tpu.dma_semaphore, #tpu.memory_space<semaphore_mem>>
        %dma_start3A = arith.constant 0 : i32
        %dma_start3A_24 = tpu.memref_slice %arg6[%run_scoped3A, %dma_start3A] : memref<8x80xi32, #tpu.memory_space<vmem>> -> memref<1x80xi32, #tpu.memory_space<vmem>>
        %dma_start3A_25 = tpu.memref_squeeze %dma_start3A_24 : memref<1x80xi32, #tpu.memory_space<vmem>> -> memref<80xi32, #tpu.memory_space<vmem>>
        %dma_start3A_26 = arith.constant 0 : i32
        %dma_start3A_27 = arith.constant 0 : i32
        %dma_start3A_28 = tpu.memref_slice %arg2[%dma_start3A_26, %dma_start3A_27] : memref<10000x128xf32, #tpu.memory_space<hbm>> -> memref<10000x128xf32, #tpu.memory_space<hbm>>
        tpu.enqueue_indirect_dma source(%dma_start3A_28 : memref<10000x128xf32, #tpu.memory_space<hbm>>) target(%arg7 : memref<80x128xf32, #tpu.memory_space<vmem>>) offsets(%dma_start3A_25 : memref<80xi32, #tpu.memory_space<vmem>>) semaphore(%run_scoped3A_23 : memref<!tpu.dma_semaphore, #tpu.memory_space<semaphore_mem>>)
        %dma_wait3A = arith.constant 0 : i32
        %dma_wait3A_29 = tpu.memref_slice %arg6[%run_scoped3A, %dma_wait3A] : memref<8x80xi32, #tpu.memory_space<vmem>> -> memref<1x80xi32, #tpu.memory_space<vmem>>
        %dma_wait3A_30 = tpu.memref_squeeze %dma_wait3A_29 : memref<1x80xi32, #tpu.memory_space<vmem>> -> memref<80xi32, #tpu.memory_space<vmem>>
        %dma_wait3A_31 = arith.constant 0 : i32
        %dma_wait3A_32 = arith.constant 0 : i32
        %dma_wait3A_33 = tpu.memref_slice %arg2[%dma_wait3A_31, %dma_wait3A_32] : memref<10000x128xf32, #tpu.memory_space<hbm>> -> memref<10000x128xf32, #tpu.memory_space<hbm>>
        tpu.wait_indirect_dma semaphore(%run_scoped3A_23 : memref<!tpu.dma_semaphore, #tpu.memory_space<semaphore_mem>>) src(%dma_wait3A_33 : memref<10000x128xf32, #tpu.memory_space<hbm>>) dst(%arg7 : memref<80x128xf32, #tpu.memory_space<vmem>>)
        tpu.yield
      }) : () -> ()
      %run_scoped3A_22 = arith.constant 1 : i32
      "tpu.region"() ({
        %run_scoped3A_23 = tpu.sem_alloc : memref<!tpu.dma_semaphore, #tpu.memory_space<semaphore_mem>>
        %dma_start3A = arith.constant 0 : i32
        %dma_start3A_24 = tpu.memref_slice %arg6[%run_scoped3A_22, %dma_start3A] : memref<8x80xi32, #tpu.memory_space<vmem>> -> memref<1x80xi32, #tpu.memory_space<vmem>>
        %dma_start3A_25 = tpu.memref_squeeze %dma_start3A_24 : memref<1x80xi32, #tpu.memory_space<vmem>> -> memref<80xi32, #tpu.memory_space<vmem>>
        %dma_start3A_26 = arith.constant 0 : i32
        %dma_start3A_27 = arith.constant 0 : i32
        %dma_start3A_28 = tpu.memref_slice %arg8[%dma_start3A_26, %dma_start3A_27] : memref<10112x128xf32, #tpu.memory_space<vmem_shared>> -> memref<10112x128xf32, #tpu.memory_space<vmem_shared>>
        tpu.enqueue_indirect_dma source(%arg7 : memref<80x128xf32, #tpu.memory_space<vmem>>) target(%dma_start3A_28 : memref<10112x128xf32, #tpu.memory_space<vmem_shared>>) offsets(%dma_start3A_25 : memref<80xi32, #tpu.memory_space<vmem>>) semaphore(%run_scoped3A_23 : memref<!tpu.dma_semaphore, #tpu.memory_space<semaphore_mem>>) {add = true}
        %dma_wait3A = arith.constant 0 : i32
        %dma_wait3A_29 = tpu.memref_slice %arg6[%run_scoped3A_22, %dma_wait3A] : memref<8x80xi32, #tpu.memory_space<vmem>> -> memref<1x80xi32, #tpu.memory_space<vmem>>
        %dma_wait3A_30 = tpu.memref_squeeze %dma_wait3A_29 : memref<1x80xi32, #tpu.memory_space<vmem>> -> memref<80xi32, #tpu.memory_space<vmem>>
        %dma_wait3A_31 = arith.constant 0 : i32
        %dma_wait3A_32 = arith.constant 0 : i32
        %dma_wait3A_33 = tpu.memref_slice %arg8[%dma_wait3A_31, %dma_wait3A_32] : memref<10112x128xf32, #tpu.memory_space<vmem_shared>> -> memref<10112x128xf32, #tpu.memory_space<vmem_shared>>
        tpu.wait_indirect_dma semaphore(%run_scoped3A_23 : memref<!tpu.dma_semaphore, #tpu.memory_space<semaphore_mem>>) src(%arg7 : memref<80x128xf32, #tpu.memory_space<vmem>>) dst(%dma_wait3A_33 : memref<10112x128xf32, #tpu.memory_space<vmem_shared>>)
        tpu.yield
      }) : () -> ()
    }
    %scan3A_10 = arith.constant 125 : i32
    %barrier3A_11 = arith.constant 0 : index
    tpu.barrier barrier_id(%barrier3A_11)
    %mul3A_12 = arith.constant 632 : i32
    %mul3A_13 = arith.muli %arg1, %mul3A_12 : i32
    %mul3A_14 = arith.constant 632 : i32
    %mul3A_15 = arith.muli %arg1, %mul3A_14 : i32
    "tpu.region"() ({
      %run_scoped3A = tpu.sem_alloc : memref<!tpu.dma_semaphore, #tpu.memory_space<semaphore_mem>>
      %dma_start3A = arith.constant 0 : i32
      %dma_start3A_16 = arith.constant 0 : i32
      %dma_start3A_17 = tpu.memref_slice %arg5[%arg0, %dma_start3A, %dma_start3A_16] : memref<2x10112x128xf32, #tpu.memory_space<hbm>> -> memref<1x10112x128xf32, #tpu.memory_space<hbm>>
      %dma_start3A_18 = tpu.memref_squeeze %dma_start3A_17 : memref<1x10112x128xf32, #tpu.memory_space<hbm>> -> memref<10112x128xf32, #tpu.memory_space<hbm>>
      %dma_start3A_19 = arith.constant 0 : i32
      %dma_start3A_20 = tpu.memref_slice %dma_start3A_18[%mul3A_15, %dma_start3A_19] : memref<10112x128xf32, #tpu.memory_space<hbm>> -> memref<632x128xf32, #tpu.memory_space<hbm>>
      %dma_start3A_21 = arith.constant 0 : i32
      %dma_start3A_22 = tpu.memref_slice %arg8[%mul3A_13, %dma_start3A_21] : memref<10112x128xf32, #tpu.memory_space<vmem_shared>> -> memref<632x128xf32, #tpu.memory_space<vmem_shared>>
      tpu.enqueue_dma source(%dma_start3A_22 : memref<632x128xf32, #tpu.memory_space<vmem_shared>>) target(%dma_start3A_20 : memref<632x128xf32, #tpu.memory_space<hbm>>) target_semaphore(%run_scoped3A : memref<!tpu.dma_semaphore, #tpu.memory_space<semaphore_mem>>)
      %dma_wait3A = arith.constant 0 : i32
      %dma_wait3A_23 = arith.constant 0 : i32
      %dma_wait3A_24 = tpu.memref_slice %arg5[%arg0, %dma_wait3A, %dma_wait3A_23] : memref<2x10112x128xf32, #tpu.memory_space<hbm>> -> memref<1x10112x128xf32, #tpu.memory_space<hbm>>
      %dma_wait3A_25 = tpu.memref_squeeze %dma_wait3A_24 : memref<1x10112x128xf32, #tpu.memory_space<hbm>> -> memref<10112x128xf32, #tpu.memory_space<hbm>>
      %dma_wait3A_26 = arith.constant 0 : i32
      %dma_wait3A_27 = tpu.memref_slice %dma_wait3A_25[%mul3A_15, %dma_wait3A_26] : memref<10112x128xf32, #tpu.memory_space<hbm>> -> memref<632x128xf32, #tpu.memory_space<hbm>>
      %dma_wait3A_28 = arith.constant 0 : i32
      %dma_wait3A_29 = tpu.memref_slice %arg8[%mul3A_13, %dma_wait3A_28] : memref<10112x128xf32, #tpu.memory_space<vmem_shared>> -> memref<632x128xf32, #tpu.memory_space<vmem_shared>>
      tpu.wait_dma2 semaphore(%run_scoped3A : memref<!tpu.dma_semaphore, #tpu.memory_space<semaphore_mem>>) src(%dma_wait3A_29 : memref<632x128xf32, #tpu.memory_space<vmem_shared>>) dst(%dma_wait3A_27 : memref<632x128xf32, #tpu.memory_space<hbm>>)
      tpu.yield
    }) : () -> ()
    return
  }
}

#map = affine_map<(d0, d1) -> (0, 0)>
#map1 = affine_map<(d0, d1) -> (0, 0, 0)>
module attributes {stable_mosaic.version = 14 : i64} {
  func.func @seg_kernel(%arg0: i32, %arg1: i32, %arg2: memref<10000x128xf32, #tpu.memory_space<hbm>>, %arg3: memref<4000x8x80xi32, #tpu.memory_space<hbm>>, %arg4: memref<10112x128xf32, #tpu.memory_space<hbm>>, %arg5: memref<2x10112x128xf32, #tpu.memory_space<hbm>>, %arg6: memref<8x80xi32, #tpu.memory_space<vmem>>, %arg7: memref<80x128xf32, #tpu.memory_space<vmem>>, %arg8: memref<10112x128xf32, #tpu.memory_space<vmem_shared>>) attributes {dimension_semantics = [#tpu.dimension_semantics<core_parallel>, #tpu.dimension_semantics<subcore_parallel>], iteration_bounds = array<i64: 2, 16>, scalar_prefetch = 0 : i64, scratch_operands = 3 : i64, tpu.core_type = #tpu.core_type<sc_vector_subcore>, window_params = [{transform_indices = #map}, {transform_indices = #map1}, {transform_indices = #map}, {transform_indices = #map1}]} {
    %mul3A = arith.constant 632 : i32
    %mul3A_0 = arith.muli %arg1, %mul3A : i32
    %mul3A_1 = arith.constant 632 : i32
    %mul3A_2 = arith.muli %arg1, %mul3A_1 : i32
    "tpu.region"() ({
      %run_scoped3A = tpu.sem_alloc : memref<!tpu.dma_semaphore, #tpu.memory_space<semaphore_mem>>
      %dma_start3A = arith.constant 0 : i32
      %dma_start3A_16 = tpu.memref_slice %arg8[%mul3A_2, %dma_start3A] : memref<10112x128xf32, #tpu.memory_space<vmem_shared>> -> memref<632x128xf32, #tpu.memory_space<vmem_shared>>
      %dma_start3A_17 = arith.constant 0 : i32
      %dma_start3A_18 = tpu.memref_slice %arg4[%mul3A_0, %dma_start3A_17] : memref<10112x128xf32, #tpu.memory_space<hbm>> -> memref<632x128xf32, #tpu.memory_space<hbm>>
      tpu.enqueue_dma source(%dma_start3A_18 : memref<632x128xf32, #tpu.memory_space<hbm>>) target(%dma_start3A_16 : memref<632x128xf32, #tpu.memory_space<vmem_shared>>) target_semaphore(%run_scoped3A : memref<!tpu.dma_semaphore, #tpu.memory_space<semaphore_mem>>)
      %dma_wait3A = arith.constant 0 : i32
      %dma_wait3A_19 = tpu.memref_slice %arg8[%mul3A_2, %dma_wait3A] : memref<10112x128xf32, #tpu.memory_space<vmem_shared>> -> memref<632x128xf32, #tpu.memory_space<vmem_shared>>
      %dma_wait3A_20 = arith.constant 0 : i32
      %dma_wait3A_21 = tpu.memref_slice %arg4[%mul3A_0, %dma_wait3A_20] : memref<10112x128xf32, #tpu.memory_space<hbm>> -> memref<632x128xf32, #tpu.memory_space<hbm>>
      tpu.wait_dma2 semaphore(%run_scoped3A : memref<!tpu.dma_semaphore, #tpu.memory_space<semaphore_mem>>) src(%dma_wait3A_21 : memref<632x128xf32, #tpu.memory_space<hbm>>) dst(%dma_wait3A_19 : memref<632x128xf32, #tpu.memory_space<vmem_shared>>)
      tpu.yield
    }) : () -> ()
    %barrier3A = arith.constant 0 : index
    tpu.barrier barrier_id(%barrier3A)
    %mul3A_3 = arith.constant 16 : i32
    %mul3A_4 = arith.muli %arg0, %mul3A_3 : i32
    %add3A = arith.addi %mul3A_4, %arg1 : i32
    %mul3A_5 = arith.constant 125 : i32
    %mul3A_6 = arith.muli %add3A, %mul3A_5 : i32
    %scan3A = arith.constant 0 : i32
    %scan3A_7 = arith.constant 125 : i32
    %scan3A_8 = arith.addi %scan3A, %scan3A_7 : i32
    %scan3A_9 = arith.constant 1 : i32
    scf.for %scan3A_16 = %scan3A to %scan3A_8 step %scan3A_9  : i32 {
      %mul3A_17 = arith.constant 1 : i32
      %mul3A_18 = arith.muli %scan3A_16, %mul3A_17 : i32
      %add3A_19 = arith.constant 0 : i32
      %add3A_20 = arith.addi %add3A_19, %mul3A_18 : i32
      %add3A_21 = arith.addi %mul3A_6, %add3A_20 : i32
      "tpu.region"() ({
        %run_scoped3A_23 = tpu.sem_alloc : memref<!tpu.dma_semaphore, #tpu.memory_space<semaphore_mem>>
        %dma_start3A = arith.constant 0 : i32
        %dma_start3A_24 = arith.constant 0 : i32
        %dma_start3A_25 = tpu.memref_slice %arg3[%add3A_21, %dma_start3A, %dma_start3A_24] : memref<4000x8x80xi32, #tpu.memory_space<hbm>> -> memref<1x8x80xi32, #tpu.memory_space<hbm>>
        %dma_start3A_26 = tpu.memref_squeeze %dma_start3A_25 : memref<1x8x80xi32, #tpu.memory_space<hbm>> -> memref<8x80xi32, #tpu.memory_space<hbm>>
        %dma_start3A_27 = arith.constant 0 : i32
        %dma_start3A_28 = arith.constant 0 : i32
        %dma_start3A_29 = tpu.memref_slice %arg3[%add3A_21, %dma_start3A_27, %dma_start3A_28] : memref<4000x8x80xi32, #tpu.memory_space<hbm>> -> memref<1x8x80xi32, #tpu.memory_space<hbm>>
        %dma_start3A_30 = tpu.memref_squeeze %dma_start3A_29 : memref<1x8x80xi32, #tpu.memory_space<hbm>> -> memref<8x80xi32, #tpu.memory_space<hbm>>
        tpu.enqueue_dma source(%dma_start3A_30 : memref<8x80xi32, #tpu.memory_space<hbm>>) target(%arg6 : memref<8x80xi32, #tpu.memory_space<vmem>>) target_semaphore(%run_scoped3A_23 : memref<!tpu.dma_semaphore, #tpu.memory_space<semaphore_mem>>)
        %dma_wait3A = arith.constant 0 : i32
        %dma_wait3A_31 = arith.constant 0 : i32
        %dma_wait3A_32 = tpu.memref_slice %arg3[%add3A_21, %dma_wait3A, %dma_wait3A_31] : memref<4000x8x80xi32, #tpu.memory_space<hbm>> -> memref<1x8x80xi32, #tpu.memory_space<hbm>>
        %dma_wait3A_33 = tpu.memref_squeeze %dma_wait3A_32 : memref<1x8x80xi32, #tpu.memory_space<hbm>> -> memref<8x80xi32, #tpu.memory_space<hbm>>
        %dma_wait3A_34 = arith.constant 0 : i32
        %dma_wait3A_35 = arith.constant 0 : i32
        %dma_wait3A_36 = tpu.memref_slice %arg3[%add3A_21, %dma_wait3A_34, %dma_wait3A_35] : memref<4000x8x80xi32, #tpu.memory_space<hbm>> -> memref<1x8x80xi32, #tpu.memory_space<hbm>>
        %dma_wait3A_37 = tpu.memref_squeeze %dma_wait3A_36 : memref<1x8x80xi32, #tpu.memory_space<hbm>> -> memref<8x80xi32, #tpu.memory_space<hbm>>
        tpu.wait_dma2 semaphore(%run_scoped3A_23 : memref<!tpu.dma_semaphore, #tpu.memory_space<semaphore_mem>>) src(%dma_wait3A_37 : memref<8x80xi32, #tpu.memory_space<hbm>>) dst(%arg6 : memref<8x80xi32, #tpu.memory_space<vmem>>)
        tpu.yield
      }) : () -> ()
      %run_scoped3A = arith.constant 0 : i32
      "tpu.region"() ({
        %run_scoped3A_23 = tpu.sem_alloc : memref<!tpu.dma_semaphore, #tpu.memory_space<semaphore_mem>>
        %dma_start3A = arith.constant 0 : i32
        %dma_start3A_24 = tpu.memref_slice %arg6[%run_scoped3A, %dma_start3A] : memref<8x80xi32, #tpu.memory_space<vmem>> -> memref<1x80xi32, #tpu.memory_space<vmem>>
        %dma_start3A_25 = tpu.memref_squeeze %dma_start3A_24 : memref<1x80xi32, #tpu.memory_space<vmem>> -> memref<80xi32, #tpu.memory_space<vmem>>
        %dma_start3A_26 = arith.constant 0 : i32
        %dma_start3A_27 = arith.constant 0 : i32
        %dma_start3A_28 = tpu.memref_slice %arg2[%dma_start3A_26, %dma_start3A_27] : memref<10000x128xf32, #tpu.memory_space<hbm>> -> memref<10000x128xf32, #tpu.memory_space<hbm>>
        tpu.enqueue_indirect_dma source(%dma_start3A_28 : memref<10000x128xf32, #tpu.memory_space<hbm>>) target(%arg7 : memref<80x128xf32, #tpu.memory_space<vmem>>) offsets(%dma_start3A_25 : memref<80xi32, #tpu.memory_space<vmem>>) semaphore(%run_scoped3A_23 : memref<!tpu.dma_semaphore, #tpu.memory_space<semaphore_mem>>)
        %dma_wait3A = arith.constant 0 : i32
        %dma_wait3A_29 = tpu.memref_slice %arg6[%run_scoped3A, %dma_wait3A] : memref<8x80xi32, #tpu.memory_space<vmem>> -> memref<1x80xi32, #tpu.memory_space<vmem>>
        %dma_wait3A_30 = tpu.memref_squeeze %dma_wait3A_29 : memref<1x80xi32, #tpu.memory_space<vmem>> -> memref<80xi32, #tpu.memory_space<vmem>>
        %dma_wait3A_31 = arith.constant 0 : i32
        %dma_wait3A_32 = arith.constant 0 : i32
        %dma_wait3A_33 = tpu.memref_slice %arg2[%dma_wait3A_31, %dma_wait3A_32] : memref<10000x128xf32, #tpu.memory_space<hbm>> -> memref<10000x128xf32, #tpu.memory_space<hbm>>
        tpu.wait_indirect_dma semaphore(%run_scoped3A_23 : memref<!tpu.dma_semaphore, #tpu.memory_space<semaphore_mem>>) src(%dma_wait3A_33 : memref<10000x128xf32, #tpu.memory_space<hbm>>) dst(%arg7 : memref<80x128xf32, #tpu.memory_space<vmem>>)
        tpu.yield
      }) : () -> ()
      %run_scoped3A_22 = arith.constant 1 : i32
      "tpu.region"() ({
        %run_scoped3A_23 = tpu.sem_alloc : memref<!tpu.dma_semaphore, #tpu.memory_space<semaphore_mem>>
        %dma_start3A = arith.constant 0 : i32
        %dma_start3A_24 = tpu.memref_slice %arg6[%run_scoped3A_22, %dma_start3A] : memref<8x80xi32, #tpu.memory_space<vmem>> -> memref<1x80xi32, #tpu.memory_space<vmem>>
        %dma_start3A_25 = tpu.memref_squeeze %dma_start3A_24 : memref<1x80xi32, #tpu.memory_space<vmem>> -> memref<80xi32, #tpu.memory_space<vmem>>
        %dma_start3A_26 = arith.constant 0 : i32
        %dma_start3A_27 = arith.constant 0 : i32
        %dma_start3A_28 = tpu.memref_slice %arg8[%dma_start3A_26, %dma_start3A_27] : memref<10112x128xf32, #tpu.memory_space<vmem_shared>> -> memref<10112x128xf32, #tpu.memory_space<vmem_shared>>
        tpu.enqueue_indirect_dma source(%arg7 : memref<80x128xf32, #tpu.memory_space<vmem>>) target(%dma_start3A_28 : memref<10112x128xf32, #tpu.memory_space<vmem_shared>>) offsets(%dma_start3A_25 : memref<80xi32, #tpu.memory_space<vmem>>) semaphore(%run_scoped3A_23 : memref<!tpu.dma_semaphore, #tpu.memory_space<semaphore_mem>>) {add = true}
        %dma_wait3A = arith.constant 0 : i32
        %dma_wait3A_29 = tpu.memref_slice %arg6[%run_scoped3A_22, %dma_wait3A] : memref<8x80xi32, #tpu.memory_space<vmem>> -> memref<1x80xi32, #tpu.memory_space<vmem>>
        %dma_wait3A_30 = tpu.memref_squeeze %dma_wait3A_29 : memref<1x80xi32, #tpu.memory_space<vmem>> -> memref<80xi32, #tpu.memory_space<vmem>>
        %dma_wait3A_31 = arith.constant 0 : i32
        %dma_wait3A_32 = arith.constant 0 : i32
        %dma_wait3A_33 = tpu.memref_slice %arg8[%dma_wait3A_31, %dma_wait3A_32] : memref<10112x128xf32, #tpu.memory_space<vmem_shared>> -> memref<10112x128xf32, #tpu.memory_space<vmem_shared>>
        tpu.wait_indirect_dma semaphore(%run_scoped3A_23 : memref<!tpu.dma_semaphore, #tpu.memory_space<semaphore_mem>>) src(%arg7 : memref<80x128xf32, #tpu.memory_space<vmem>>) dst(%dma_wait3A_33 : memref<10112x128xf32, #tpu.memory_space<vmem_shared>>)
        tpu.yield
      }) : () -> ()
    }
    %scan3A_10 = arith.constant 125 : i32
    %barrier3A_11 = arith.constant 0 : index
    tpu.barrier barrier_id(%barrier3A_11)
    %mul3A_12 = arith.constant 632 : i32
    %mul3A_13 = arith.muli %arg1, %mul3A_12 : i32
    %mul3A_14 = arith.constant 632 : i32
    %mul3A_15 = arith.muli %arg1, %mul3A_14 : i32
    "tpu.region"() ({
      %run_scoped3A = tpu.sem_alloc : memref<!tpu.dma_semaphore, #tpu.memory_space<semaphore_mem>>
      %dma_start3A = arith.constant 0 : i32
      %dma_start3A_16 = arith.constant 0 : i32
      %dma_start3A_17 = tpu.memref_slice %arg5[%arg0, %dma_start3A, %dma_start3A_16] : memref<2x10112x128xf32, #tpu.memory_space<hbm>> -> memref<1x10112x128xf32, #tpu.memory_space<hbm>>
      %dma_start3A_18 = tpu.memref_squeeze %dma_start3A_17 : memref<1x10112x128xf32, #tpu.memory_space<hbm>> -> memref<10112x128xf32, #tpu.memory_space<hbm>>
      %dma_start3A_19 = arith.constant 0 : i32
      %dma_start3A_20 = tpu.memref_slice %dma_start3A_18[%mul3A_15, %dma_start3A_19] : memref<10112x128xf32, #tpu.memory_space<hbm>> -> memref<632x128xf32, #tpu.memory_space<hbm>>
      %dma_start3A_21 = arith.constant 0 : i32
      %dma_start3A_22 = tpu.memref_slice %arg8[%mul3A_13, %dma_start3A_21] : memref<10112x128xf32, #tpu.memory_space<vmem_shared>> -> memref<632x128xf32, #tpu.memory_space<vmem_shared>>
      tpu.enqueue_dma source(%dma_start3A_22 : memref<632x128xf32, #tpu.memory_space<vmem_shared>>) target(%dma_start3A_20 : memref<632x128xf32, #tpu.memory_space<hbm>>) target_semaphore(%run_scoped3A : memref<!tpu.dma_semaphore, #tpu.memory_space<semaphore_mem>>)
      %dma_wait3A = arith.constant 0 : i32
      %dma_wait3A_23 = arith.constant 0 : i32
      %dma_wait3A_24 = tpu.memref_slice %arg5[%arg0, %dma_wait3A, %dma_wait3A_23] : memref<2x10112x128xf32, #tpu.memory_space<hbm>> -> memref<1x10112x128xf32, #tpu.memory_space<hbm>>
      %dma_wait3A_25 = tpu.memref_squeeze %dma_wait3A_24 : memref<1x10112x128xf32, #tpu.memory_space<hbm>> -> memref<10112x128xf32, #tpu.memory_space<hbm>>
      %dma_wait3A_26 = arith.constant 0 : i32
      %dma_wait3A_27 = tpu.memref_slice %dma_wait3A_25[%mul3A_15, %dma_wait3A_26] : memref<10112x128xf32, #tpu.memory_space<hbm>> -> memref<632x128xf32, #tpu.memory_space<hbm>>
      %dma_wait3A_28 = arith.constant 0 : i32
      %dma_wait3A_29 = tpu.memref_slice %arg8[%mul3A_13, %dma_wait3A_28] : memref<10112x128xf32, #tpu.memory_space<vmem_shared>> -> memref<632x128xf32, #tpu.memory_space<vmem_shared>>
      tpu.wait_dma2 semaphore(%run_scoped3A : memref<!tpu.dma_semaphore, #tpu.memory_space<semaphore_mem>>) src(%dma_wait3A_29 : memref<632x128xf32, #tpu.memory_space<vmem_shared>>) dst(%dma_wait3A_27 : memref<632x128xf32, #tpu.memory_space<hbm>>)
      tpu.yield
    }) : () -> ()
    return
  }
}

module attributes {stable_mosaic.version = 14 : i64} {
  func.func @_gin_dense_body(%arg0: i32, %arg1: memref<2000x128xf32, #tpu.memory_space<vmem>>, %arg2: memref<2x2000x128xf32, #tpu.memory_space<vmem>>, %arg3: memref<128x128xf32, #tpu.memory_space<vmem>>, %arg4: memref<1x128xf32, #tpu.memory_space<vmem>>, %arg5: memref<128x128xf32, #tpu.memory_space<vmem>>, %arg6: memref<1x128xf32, #tpu.memory_space<vmem>>, %arg7: memref<2000x128xf32, #tpu.memory_space<vmem>>) attributes {dimension_semantics = [#tpu.dimension_semantics<arbitrary>], iteration_bounds = array<i64: 5>, scalar_prefetch = 0 : i64, scratch_operands = 0 : i64, tpu.core_type = #tpu.core_type<tc>, window_params = [{transform_indices = @transform_0, window_bounds = array<i64: 2000, 128>}, {transform_indices = @transform_1, window_bounds = array<i64: 2, 2000, 128>}, {pipeline_mode = #tpu.pipeline_mode<synchronous>, transform_indices = @transform_2, window_bounds = array<i64: 128, 128>}, {pipeline_mode = #tpu.pipeline_mode<synchronous>, transform_indices = @transform_3, window_bounds = array<i64: 1, 128>}, {pipeline_mode = #tpu.pipeline_mode<synchronous>, transform_indices = @transform_4, window_bounds = array<i64: 128, 128>}, {pipeline_mode = #tpu.pipeline_mode<synchronous>, transform_indices = @transform_5, window_bounds = array<i64: 1, 128>}, {transform_indices = @transform_6, window_bounds = array<i64: 2000, 128>}]} {
    %get3A = arith.constant 0 : index
    %get3A_0 = arith.constant 0 : index
    %get3A_1 = vector.load %arg1[%get3A, %get3A_0] : memref<2000x128xf32, #tpu.memory_space<vmem>>, vector<2000x128xf32>
    %get3A_2 = arith.constant 0 : index
    %get3A_3 = arith.constant 0 : index
    %get3A_4 = arith.constant 0 : index
    %get3A_5 = vector.load %arg2[%get3A_2, %get3A_3, %get3A_4] : memref<2x2000x128xf32, #tpu.memory_space<vmem>>, vector<1x2000x128xf32>
    %get3A_6 = vector.shape_cast %get3A_5 : vector<1x2000x128xf32> to vector<2000x128xf32>
    %add3A = arith.addf %get3A_1, %get3A_6 : vector<2000x128xf32>
    %get3A_7 = arith.constant 1 : index
    %get3A_8 = arith.constant 0 : index
    %get3A_9 = arith.constant 0 : index
    %get3A_10 = vector.load %arg2[%get3A_7, %get3A_8, %get3A_9] : memref<2x2000x128xf32, #tpu.memory_space<vmem>>, vector<1x2000x128xf32>
    %get3A_11 = vector.shape_cast %get3A_10 : vector<1x2000x128xf32> to vector<2000x128xf32>
    %add3A_12 = arith.addf %add3A, %get3A_11 : vector<2000x128xf32>
    %get3A_13 = arith.constant 0 : index
    %get3A_14 = arith.constant 0 : index
    %get3A_15 = vector.load %arg3[%get3A_13, %get3A_14] : memref<128x128xf32, #tpu.memory_space<vmem>>, vector<128x128xf32>
    %dot_general3A = arith.constant dense<0.000000e+00> : vector<2000x128xf32>
    %dot_general3A_16 = tpu.matmul %add3A_12, %get3A_15, %dot_general3A {dimension_numbers = #tpu.dot_dimension_numbers<[1], [0], [0], [1], [0, 0, 1, 1], [], []>, precision = #tpu.contract_precision<fp32>, transpose_lhs_hint = false} : vector<2000x128xf32>, vector<128x128xf32>, vector<2000x128xf32> -> vector<2000x128xf32>
    %get3A_17 = arith.constant 0 : index
    %get3A_18 = arith.constant 0 : index
    %get3A_19 = vector.load %arg4[%get3A_17, %get3A_18] : memref<1x128xf32, #tpu.memory_space<vmem>>, vector<1x128xf32>
    %add3A_20 = vector.broadcast %get3A_19 : vector<1x128xf32> to vector<2000x128xf32>
    %add3A_21 = arith.addf %dot_general3A_16, %add3A_20 : vector<2000x128xf32>
    %max3A = arith.constant 0.000000e+00 : f32
    %max3A_22 = vector.broadcast %max3A : f32 to vector<2000x128xf32>
    %max3A_23 = arith.maximumf %add3A_21, %max3A_22 : vector<2000x128xf32>
    %get3A_24 = arith.constant 0 : index
    %get3A_25 = arith.constant 0 : index
    %get3A_26 = vector.load %arg5[%get3A_24, %get3A_25] : memref<128x128xf32, #tpu.memory_space<vmem>>, vector<128x128xf32>
    %dot_general3A_27 = arith.constant dense<0.000000e+00> : vector<2000x128xf32>
    %dot_general3A_28 = tpu.matmul %max3A_23, %get3A_26, %dot_general3A_27 {dimension_numbers = #tpu.dot_dimension_numbers<[1], [0], [0], [1], [0, 0, 1, 1], [], []>, precision = #tpu.contract_precision<fp32>, transpose_lhs_hint = false} : vector<2000x128xf32>, vector<128x128xf32>, vector<2000x128xf32> -> vector<2000x128xf32>
    %get3A_29 = arith.constant 0 : index
    %get3A_30 = arith.constant 0 : index
    %get3A_31 = vector.load %arg6[%get3A_29, %get3A_30] : memref<1x128xf32, #tpu.memory_space<vmem>>, vector<1x128xf32>
    %add3A_32 = vector.broadcast %get3A_31 : vector<1x128xf32> to vector<2000x128xf32>
    %add3A_33 = arith.addf %dot_general3A_28, %add3A_32 : vector<2000x128xf32>
    %max3A_34 = arith.constant 0.000000e+00 : f32
    %max3A_35 = vector.broadcast %max3A_34 : f32 to vector<2000x128xf32>
    %max3A_36 = arith.maximumf %add3A_33, %max3A_35 : vector<2000x128xf32>
    %swap3A = arith.constant 0 : index
    %swap3A_37 = arith.constant 0 : index
    %swap3A_38 = vector.load %arg7[%swap3A, %swap3A_37] : memref<2000x128xf32, #tpu.memory_space<vmem>>, vector<2000x128xf32>
    tpu.vector_store %arg7[%swap3A, %swap3A_37], %max3A_36 {strides = array<i32>} : memref<2000x128xf32, #tpu.memory_space<vmem>>, vector<2000x128xf32>,
    return
  }
  func.func @transform_0(%arg0: i32) -> (i32, i32) {
    %c0_i32 = arith.constant 0 : i32
    %c0_i32_0 = arith.constant 0 : i32
    return %arg0, %c0_i32 : i32, i32
  }
  func.func @transform_1(%arg0: i32) -> (i32, i32, i32) {
    %c0_i32 = arith.constant 0 : i32
    %c0_i32_0 = arith.constant 0 : i32
    %c0_i32_1 = arith.constant 0 : i32
    return %c0_i32, %arg0, %c0_i32_0 : i32, i32, i32
  }
  func.func @transform_2(%arg0: i32) -> (i32, i32) {
    %c0_i32 = arith.constant 0 : i32
    %c0_i32_0 = arith.constant 0 : i32
    %c0_i32_1 = arith.constant 0 : i32
    return %c0_i32, %c0_i32_0 : i32, i32
  }
  func.func @transform_3(%arg0: i32) -> (i32, i32) {
    %c0_i32 = arith.constant 0 : i32
    %c0_i32_0 = arith.constant 0 : i32
    %c0_i32_1 = arith.constant 0 : i32
    return %c0_i32, %c0_i32_0 : i32, i32
  }
  func.func @transform_4(%arg0: i32) -> (i32, i32) {
    %c0_i32 = arith.constant 0 : i32
    %c0_i32_0 = arith.constant 0 : i32
    %c0_i32_1 = arith.constant 0 : i32
    return %c0_i32, %c0_i32_0 : i32, i32
  }
  func.func @transform_5(%arg0: i32) -> (i32, i32) {
    %c0_i32 = arith.constant 0 : i32
    %c0_i32_0 = arith.constant 0 : i32
    %c0_i32_1 = arith.constant 0 : i32
    return %c0_i32, %c0_i32_0 : i32, i32
  }
  func.func @transform_6(%arg0: i32) -> (i32, i32) {
    %c0_i32 = arith.constant 0 : i32
    %c0_i32_0 = arith.constant 0 : i32
    return %arg0, %c0_i32 : i32, i32
  }
}

module attributes {stable_mosaic.version = 14 : i64} {
  func.func @_final_body(%arg0: i32, %arg1: memref<2000x128xf32, #tpu.memory_space<vmem>>, %arg2: memref<2x2000x128xf32, #tpu.memory_space<vmem>>, %arg3: memref<128x128xf32, #tpu.memory_space<vmem>>, %arg4: memref<1x128xf32, #tpu.memory_space<vmem>>, %arg5: memref<128x128xf32, #tpu.memory_space<vmem>>, %arg6: memref<1x128xf32, #tpu.memory_space<vmem>>, %arg7: memref<128x40xf32, #tpu.memory_space<vmem>>, %arg8: memref<1x40xf32, #tpu.memory_space<vmem>>, %arg9: memref<2000x40xf32, #tpu.memory_space<vmem>>) attributes {dimension_semantics = [#tpu.dimension_semantics<arbitrary>], iteration_bounds = array<i64: 5>, scalar_prefetch = 0 : i64, scratch_operands = 0 : i64, tpu.core_type = #tpu.core_type<tc>, window_params = [{transform_indices = @transform_0, window_bounds = array<i64: 2000, 128>}, {transform_indices = @transform_1, window_bounds = array<i64: 2, 2000, 128>}, {pipeline_mode = #tpu.pipeline_mode<synchronous>, transform_indices = @transform_2, window_bounds = array<i64: 128, 128>}, {pipeline_mode = #tpu.pipeline_mode<synchronous>, transform_indices = @transform_3, window_bounds = array<i64: 1, 128>}, {pipeline_mode = #tpu.pipeline_mode<synchronous>, transform_indices = @transform_4, window_bounds = array<i64: 128, 128>}, {pipeline_mode = #tpu.pipeline_mode<synchronous>, transform_indices = @transform_5, window_bounds = array<i64: 1, 128>}, {pipeline_mode = #tpu.pipeline_mode<synchronous>, transform_indices = @transform_6, window_bounds = array<i64: 128, 40>}, {pipeline_mode = #tpu.pipeline_mode<synchronous>, transform_indices = @transform_7, window_bounds = array<i64: 1, 40>}, {transform_indices = @transform_8, window_bounds = array<i64: 2000, 40>}]} {
    %get3A = arith.constant 0 : index
    %get3A_0 = arith.constant 0 : index
    %get3A_1 = vector.load %arg1[%get3A, %get3A_0] : memref<2000x128xf32, #tpu.memory_space<vmem>>, vector<2000x128xf32>
    %get3A_2 = arith.constant 0 : index
    %get3A_3 = arith.constant 0 : index
    %get3A_4 = arith.constant 0 : index
    %get3A_5 = vector.load %arg2[%get3A_2, %get3A_3, %get3A_4] : memref<2x2000x128xf32, #tpu.memory_space<vmem>>, vector<1x2000x128xf32>
    %get3A_6 = vector.shape_cast %get3A_5 : vector<1x2000x128xf32> to vector<2000x128xf32>
    %add3A = arith.addf %get3A_1, %get3A_6 : vector<2000x128xf32>
    %get3A_7 = arith.constant 1 : index
    %get3A_8 = arith.constant 0 : index
    %get3A_9 = arith.constant 0 : index
    %get3A_10 = vector.load %arg2[%get3A_7, %get3A_8, %get3A_9] : memref<2x2000x128xf32, #tpu.memory_space<vmem>>, vector<1x2000x128xf32>
    %get3A_11 = vector.shape_cast %get3A_10 : vector<1x2000x128xf32> to vector<2000x128xf32>
    %add3A_12 = arith.addf %add3A, %get3A_11 : vector<2000x128xf32>
    %get3A_13 = arith.constant 0 : index
    %get3A_14 = arith.constant 0 : index
    %get3A_15 = vector.load %arg3[%get3A_13, %get3A_14] : memref<128x128xf32, #tpu.memory_space<vmem>>, vector<128x128xf32>
    %dot_general3A = arith.constant dense<0.000000e+00> : vector<2000x128xf32>
    %dot_general3A_16 = tpu.matmul %add3A_12, %get3A_15, %dot_general3A {dimension_numbers = #tpu.dot_dimension_numbers<[1], [0], [0], [1], [0, 0, 1, 1], [], []>, precision = #tpu.contract_precision<fp32>, transpose_lhs_hint = false} : vector<2000x128xf32>, vector<128x128xf32>, vector<2000x128xf32> -> vector<2000x128xf32>
    %get3A_17 = arith.constant 0 : index
    %get3A_18 = arith.constant 0 : index
    %get3A_19 = vector.load %arg4[%get3A_17, %get3A_18] : memref<1x128xf32, #tpu.memory_space<vmem>>, vector<1x128xf32>
    %add3A_20 = vector.broadcast %get3A_19 : vector<1x128xf32> to vector<2000x128xf32>
    %add3A_21 = arith.addf %dot_general3A_16, %add3A_20 : vector<2000x128xf32>
    %max3A = arith.constant 0.000000e+00 : f32
    %max3A_22 = vector.broadcast %max3A : f32 to vector<2000x128xf32>
    %max3A_23 = arith.maximumf %add3A_21, %max3A_22 : vector<2000x128xf32>
    %get3A_24 = arith.constant 0 : index
    %get3A_25 = arith.constant 0 : index
    %get3A_26 = vector.load %arg5[%get3A_24, %get3A_25] : memref<128x128xf32, #tpu.memory_space<vmem>>, vector<128x128xf32>
    %dot_general3A_27 = arith.constant dense<0.000000e+00> : vector<2000x128xf32>
    %dot_general3A_28 = tpu.matmul %max3A_23, %get3A_26, %dot_general3A_27 {dimension_numbers = #tpu.dot_dimension_numbers<[1], [0], [0], [1], [0, 0, 1, 1], [], []>, precision = #tpu.contract_precision<fp32>, transpose_lhs_hint = false} : vector<2000x128xf32>, vector<128x128xf32>, vector<2000x128xf32> -> vector<2000x128xf32>
    %get3A_29 = arith.constant 0 : index
    %get3A_30 = arith.constant 0 : index
    %get3A_31 = vector.load %arg6[%get3A_29, %get3A_30] : memref<1x128xf32, #tpu.memory_space<vmem>>, vector<1x128xf32>
    %add3A_32 = vector.broadcast %get3A_31 : vector<1x128xf32> to vector<2000x128xf32>
    %add3A_33 = arith.addf %dot_general3A_28, %add3A_32 : vector<2000x128xf32>
    %max3A_34 = arith.constant 0.000000e+00 : f32
    %max3A_35 = vector.broadcast %max3A_34 : f32 to vector<2000x128xf32>
    %max3A_36 = arith.maximumf %add3A_33, %max3A_35 : vector<2000x128xf32>
    %get3A_37 = arith.constant 0 : index
    %get3A_38 = arith.constant 0 : index
    %get3A_39 = vector.load %arg7[%get3A_37, %get3A_38] : memref<128x40xf32, #tpu.memory_space<vmem>>, vector<128x40xf32>
    %dot_general3A_40 = arith.constant dense<0.000000e+00> : vector<2000x40xf32>
    %dot_general3A_41 = tpu.matmul %max3A_36, %get3A_39, %dot_general3A_40 {dimension_numbers = #tpu.dot_dimension_numbers<[1], [0], [0], [1], [0, 0, 1, 1], [], []>, precision = #tpu.contract_precision<fp32>, transpose_lhs_hint = false} : vector<2000x128xf32>, vector<128x40xf32>, vector<2000x40xf32> -> vector<2000x40xf32>
    %get3A_42 = arith.constant 0 : index
    %get3A_43 = arith.constant 0 : index
    %get3A_44 = vector.load %arg8[%get3A_42, %get3A_43] : memref<1x40xf32, #tpu.memory_space<vmem>>, vector<1x40xf32>
    %add3A_45 = vector.broadcast %get3A_44 : vector<1x40xf32> to vector<2000x40xf32>
    %add3A_46 = arith.addf %dot_general3A_41, %add3A_45 : vector<2000x40xf32>
    %reduce_max3A = arith.constant dense<0xFF800000> : vector<2000xf32>
    %reduce_max3A_47 = vector.multi_reduction <maximumf>, %add3A_46, %reduce_max3A [1] : vector<2000x40xf32> to vector<2000xf32>
    %broadcast_in_dim3A = vector.shape_cast %reduce_max3A_47 : vector<2000xf32> to vector<2000x1xf32>
    %sub3A = vector.broadcast %broadcast_in_dim3A : vector<2000x1xf32> to vector<2000x40xf32>
    %sub3A_48 = arith.subf %add3A_46, %sub3A : vector<2000x40xf32>
    %exp3A = math.exp %sub3A_48 : vector<2000x40xf32>
    %reduce_sum3A = arith.constant dense<0.000000e+00> : vector<2000xf32>
    %reduce_sum3A_49 = vector.multi_reduction <add>, %exp3A, %reduce_sum3A [1] : vector<2000x40xf32> to vector<2000xf32>
    %broadcast_in_dim3A_50 = vector.shape_cast %reduce_sum3A_49 : vector<2000xf32> to vector<2000x1xf32>
    %log3A = math.log %broadcast_in_dim3A_50 : vector<2000x1xf32>
    %sub3A_51 = vector.broadcast %log3A : vector<2000x1xf32> to vector<2000x40xf32>
    %sub3A_52 = arith.subf %sub3A_48, %sub3A_51 : vector<2000x40xf32>
    %swap3A = arith.constant 0 : index
    %swap3A_53 = arith.constant 0 : index
    %swap3A_54 = vector.load %arg9[%swap3A, %swap3A_53] : memref<2000x40xf32, #tpu.memory_space<vmem>>, vector<2000x40xf32>
    tpu.vector_store %arg9[%swap3A, %swap3A_53], %sub3A_52 {strides = array<i32>} : memref<2000x40xf32, #tpu.memory_space<vmem>>, vector<2000x40xf32>,
    return
  }
  func.func @transform_0(%arg0: i32) -> (i32, i32) {
    %c0_i32 = arith.constant 0 : i32
    %c0_i32_0 = arith.constant 0 : i32
    return %arg0, %c0_i32 : i32, i32
  }
  func.func @transform_1(%arg0: i32) -> (i32, i32, i32) {
    %c0_i32 = arith.constant 0 : i32
    %c0_i32_0 = arith.constant 0 : i32
    %c0_i32_1 = arith.constant 0 : i32
    return %c0_i32, %arg0, %c0_i32_0 : i32, i32, i32
  }
  func.func @transform_2(%arg0: i32) -> (i32, i32) {
    %c0_i32 = arith.constant 0 : i32
    %c0_i32_0 = arith.constant 0 : i32
    %c0_i32_1 = arith.constant 0 : i32
    return %c0_i32, %c0_i32_0 : i32, i32
  }
  func.func @transform_3(%arg0: i32) -> (i32, i32) {
    %c0_i32 = arith.constant 0 : i32
    %c0_i32_0 = arith.constant 0 : i32
    %c0_i32_1 = arith.constant 0 : i32
    return %c0_i32, %c0_i32_0 : i32, i32
  }
  func.func @transform_4(%arg0: i32) -> (i32, i32) {
    %c0_i32 = arith.constant 0 : i32
    %c0_i32_0 = arith.constant 0 : i32
    %c0_i32_1 = arith.constant 0 : i32
    return %c0_i32, %c0_i32_0 : i32, i32
  }
  func.func @transform_5(%arg0: i32) -> (i32, i32) {
    %c0_i32 = arith.constant 0 : i32
    %c0_i32_0 = arith.constant 0 : i32
    %c0_i32_1 = arith.constant 0 : i32
    return %c0_i32, %c0_i32_0 : i32, i32
  }
  func.func @transform_6(%arg0: i32) -> (i32, i32) {
    %c0_i32 = arith.constant 0 : i32
    %c0_i32_0 = arith.constant 0 : i32
    %c0_i32_1 = arith.constant 0 : i32
    return %c0_i32, %c0_i32_0 : i32, i32
  }
  func.func @transform_7(%arg0: i32) -> (i32, i32) {
    %c0_i32 = arith.constant 0 : i32
    %c0_i32_0 = arith.constant 0 : i32
    %c0_i32_1 = arith.constant 0 : i32
    return %c0_i32, %c0_i32_0 : i32, i32
  }
  func.func @transform_8(%arg0: i32) -> (i32, i32) {
    %c0_i32 = arith.constant 0 : i32
    %c0_i32_0 = arith.constant 0 : i32
    return %arg0, %c0_i32 : i32, i32
  }
}

</mosaic_0001>

<sc_bundles>
// kernel: kernel.11.cloned.1.call-start
scs
__scs_entry_jumppad:
0x0: {  	(pc) =	sbr.rel $0x88, $3  }
0x1: {  	(tag) =	ssettag $0x0;
	lr =	simm.s32 $0x1  }
0x2: {  	[smem:$0x3F91] =	sst lr;
	_ =	strace $0xD0000000  }
0x3: {  	_ = 	snop  }
0x4: {  	_ = 	snop  }
0x5: {  	_ = 	snop  }
0x6: {  	_ = 	snop  }
0x7: {  	_ = 	snop  }
__scs_overlays_trampoline_lowered:
0x8: {  	[smem:$0x3FA0] =	sst s0  }
0x9: {  	[smem:$0x3FA1] =	sst s1  }
0xa: {  	[smem:$0x3FA2] =	sst s2  }
0xb: {  	[smem:$0x3FA3] =	sst s3  }
0xc: {  	[smem:$0x3FA4] =	sst s4  }
0xd: {  	[smem:$0x3FA5] =	sst s5  }
0xe: {  	[smem:$0x3FA6] =	sst s6  }
0xf: {  	[smem:$0x3FA7] =	sst s7  }
0x10: {  	[smem:$0x3FA8] =	sst s8  }
0x11: {  	[smem:$0x3FA9] =	sst s9;
	s0 =	simm.s32 @!p0 $0x0  }
0x12: {  	s1 =	sld [smem:$0x3F8F];
	s0 =	simm.s32 @p0 $0x1  }
0x13: {  	[smem:$0x3FAA] =	sst s0;
	s0 =	simm.s32 @!p1 $0x0  }
0x14: {  	s2 =	sld [smem:$0x3F8E];
	s0 =	simm.s32 @p1 $0x1  }
0x15: {  	[smem:$0x3FAB] =	sst s0;
	s0 =	simm.s32 @!p2 $0x0  }
0x16: {  	s3 =	sld [smem:$0x3FDB];
	s0 =	simm.s32 @p2 $0x1  }
0x17: {  	s4 =	simm.s32 $0x1BF5;
	[smem:$0x3FAD] =	sst s0  }
0x18: {  	s0 =	sld [smem:$0x3F90];
	_ =	swait.ge [sflag:s4], $0x0  }
0x19: {  	s7 =	sld [smem:$0x3F91]  }
0x1a: {  	s8 =	sadd.s32 $0xFFFFE003, lr  }
0x1b: {  	s9 =	sadd.s32 $0xFFFFFEF7, lr;
	s5 =	simm.s32 $0xFFFFFFFF;
	p2 =	slt.u32 s8, $0xFFFFF086  }
0x1c: {  	p1 =	slt.u32 s9, $0xF7A;
	s5 =	simm.s32 @!p2 $0x0  }
0x1d: {  	s5 =	simm.s32 @p1 $0x1;
	p0 =	seq.s32 s7, s2  }
0x1e: {  	s7 =	smul.u32 @!p0 $0xF7A, s2;
	p2 =	seq.s32 @!p0 s5, $0x0  }
0x1f: {  	s9 =	smul.u32 $0xF7A, s1;
	s8 =	simm.s32 @!p0 $0x1BF5;
	p2 =	por !p2, p0  }
0x20: {  	[sflag:s8] =	ssyncset.s32 @!p0 $0xFFFFF086;
	s6 =	sadd.s32 @!p0 s3, s7;
	s7 =	simm.s32 @!p0 $0x108  }
0x21: {  	s3 =	sadd.s32 s3, s9;
	s6 =	sadd.s32 @!p0 $0x88, s6;
	s7 =	simm.s32 @p2 $0x1082  }
0x22: {  	[simem:s7], [sflag:s8] =	dma.local @!p0 [hbm:s6], $0xF7A  }
0x23: {  	s9 =	sor.u32 $0xD0000000, s2;
	s6 =	simm.s32 $0x108;
	_ =	swait.ge @!p0 [sflag:s8], $0x0  }
0x24: {  	s3 =	sadd.s32 $0x88, s3;
	s6 =	simm.s32 @!p1 $0x1082;
	[sflag:s4] =	ssyncset.s32 $0xFFFFF086  }
0x25: {  	[simem:s6], [sflag:s4] =	dma.local [hbm:s3], $0xF7A  }
0x26: {  	[smem:$0x3F91] =	sst s1;
	(tag) =	ssettag s2;
	_ =	strace s9  }
0x27: {  	s1 =	sld [smem:$0x3FA1]  }
0x28: {  	s2 =	sld [smem:$0x3FA2]  }
0x29: {  	s4 =	sld [smem:$0x3FA4]  }
0x2a: {  	p0 =	seq.s32 s5, $0x0;
	s5 =	sld [smem:$0x3FA5]  }
0x2b: {  	s6 =	sld [smem:$0x3FA6]  }
0x2c: {  	s7 =	sld [smem:$0x3FA7]  }
0x2d: {  	s3 =	simm.s32 $0x108;
	s8 =	sld [smem:$0x3FA8]  }
0x2e: {  	s3 =	simm.s32 @!p0 $0x1082;
	s9 =	sld [smem:$0x3FA9]  }
0x2f: {  	lr =	sadd.s32 s0, s3;
	s0 =	sld [smem:$0x3FA0]  }
0x30: {  	s3 =	sld [smem:$0x3FA3]  }
0x31: {  	[smem:$0x3FAC] =	sst s10  }
0x32: {  	s10 =	sld [smem:$0x3FAA];
	_ =	sdelay $0x3  }
0x33: {  	p0 =	seq.s32 s10, $0x1;
	s10 =	sld [smem:$0x3FAC];
	_ =	sdelay $0x3  }
0x34: {  	[smem:$0x3FAC] =	sst s10  }
0x35: {  	s10 =	sld [smem:$0x3FAB];
	_ =	sdelay $0x3  }
0x36: {  	p1 =	seq.s32 s10, $0x1;
	s10 =	sld [smem:$0x3FAC];
	_ =	sdelay $0x3  }
0x37: {  	[smem:$0x3FAC] =	sst s10  }
0x38: {  	s10 =	sld [smem:$0x3FAD]  }
0x39: {  	_ = 	snop;
	(pc) =	sbr.ind lr, $3  }
0x3a: {  	_ = 	snop  }
0x3b: {  	_ = 	snop  }
0x3c: {  	p2 =	seq.s32 s10, $0x1;
	s10 =	sld [smem:$0x3FAC]  }
0x3d: {  	_ =	shalt  }
0x3e: {  	_ =	shalt  }
0x3f: {  	_ =	shalt  }
0x40: {  	_ =	shalt  }
0x41: {  	_ =	shalt  }
0x42: {  	_ =	shalt  }
0x43: {  	_ =	shalt  }
0x44: {  	_ =	shalt  }
0x45: {  	_ =	shalt  }
0x46: {  	_ =	shalt  }
0x47: {  	_ =	shalt  }
0x48: {  	_ =	shalt  }
0x49: {  	_ =	shalt  }
0x4a: {  	_ =	shalt  }
0x4b: {  	_ =	shalt  }
0x4c: {  	_ =	shalt  }
0x4d: {  	_ =	shalt  }
0x4e: {  	_ =	shalt  }
0x4f: {  	_ =	shalt  }
0x50: {  	_ =	shalt  }
0x51: {  	_ =	shalt  }
0x52: {  	_ =	shalt  }
0x53: {  	_ =	shalt  }
0x54: {  	_ =	shalt  }
0x55: {  	_ =	shalt  }
0x56: {  	_ =	shalt  }
0x57: {  	_ =	shalt  }
0x58: {  	_ =	shalt  }
0x59: {  	_ =	shalt  }
0x5a: {  	_ =	shalt  }
0x5b: {  	_ =	shalt  }
0x5c: {  	_ =	shalt  }
0x5d: {  	_ =	shalt  }
0x5e: {  	_ =	shalt  }
0x5f: {  	_ =	shalt  }
0x60: {  	_ =	shalt  }
0x61: {  	_ =	shalt  }
0x62: {  	_ =	shalt  }
0x63: {  	_ =	shalt  }
0x64: {  	_ =	shalt  }
0x65: {  	_ =	shalt  }
0x66: {  	_ =	shalt  }
0x67: {  	_ =	shalt  }
0x68: {  	_ =	shalt  }
0x69: {  	_ =	shalt  }
0x6a: {  	_ =	shalt  }
0x6b: {  	_ =	shalt  }
0x6c: {  	_ =	shalt  }
0x6d: {  	_ =	shalt  }
0x6e: {  	_ =	shalt  }
0x6f: {  	_ =	shalt  }
0x70: {  	_ =	shalt  }
0x71: {  	_ =	shalt  }
0x72: {  	_ =	shalt  }
0x73: {  	_ =	shalt  }
0x74: {  	_ =	shalt  }
0x75: {  	_ =	shalt  }
0x76: {  	_ =	shalt  }
0x77: {  	_ =	shalt  }
0x78: {  	_ =	shalt  }
0x79: {  	_ =	shalt  }
0x7a: {  	_ =	shalt  }
0x7b: {  	_ =	shalt  }
0x7c: {  	_ =	shalt  }
0x7d: {  	_ =	shalt  }
0x7e: {  	_ =	shalt  }
0x7f: {  	_ =	shalt  }
0x80: {  	_ =	shalt  }
0x81: {  	_ =	shalt  }
0x82: {  	_ =	shalt  }
0x83: {  	_ =	shalt  }
0x84: {  	_ =	shalt  }
0x85: {  	_ =	shalt  }
0x86: {  	_ =	shalt  }
0x87: {  	_ =	shalt  }
.Lfunc_end0:
.L_simem_size_0:
called_computation.1_lowered:
.L_overlay_start_0:
0x88: {  	s2 =	sld [smem:$0x3FD9]  }
0x89: {  	s3 =	sld [smem:$0x3FFE];
	_ =	sdelay $0x1  }
0x8a: {  	s1 =	srdreg.scid  }
0x8b: {  	s0 =	sand.u32 $0x1, s1  }
0x8c: {  	s16 =	sshll.u32 s0, $0xA;
	s2 =	sadd.s32 s3, s2  }
0x8d: {  	s2 =	sadd.s32 s2, s16  }
0x8e: {  	[smem:$0x3FB8] =	sst s2  }
0x8f: {  	_ = 	snop  }
0x90: {  	(tm) =	ssettm $0x1  }
0x91: {  	s17 =	sld [smem:$0x3FFB];
	_ =	sdelay $0x3  }
0x92: {  	_ =	strace s17  }
0x93: {  	s2 =	sld [smem:$0x3FFC];
	_ =	sdelay $0x3  }
0x94: {  	_ =	strace s2  }
0x95: {  	s2 =	sld [smem:$0x3FFD];
	_ =	sdelay $0x3  }
0x96: {  	_ =	strace s2  }
0x97: {  	_ =	strace $0x8FFFFFFF  }
0x98: {  	s18 =	sld [smem:$0x3FDB];
	_ =	sdelay $0x1  }
0x99: {  	s19 =	simm.s32 $_scs_section_size  }
0x9a: {  	s4 =	simm.s32 $_size__tile_overlayer_lowered;
	s5 =	simm.s32 $_tile_overlayer_lowered  }
0x9b: {  	s22 =	simm.s32 $0x1BFF;
	s21 =	sshll.u32 s5, $0x1;
	s2 =	sadd.s32 s19, s18  }
0x9c: {  	s6 =	simm.s32 $0x0;
	s20 =	sshll.u32 s4, $0x1;
	s4 =	sadd.s32 s21, s2  }
0x9d: {  	[timem:s6], [sflag:s22] =	dma.local [hbm:s4], s20  }
0x9e: {  	_ =	swait.ge [sflag:s22], s20  }
0x9f: {  	s3 =	ssub.s32 $0x0, s20;
	[sflag:s22] =	ssyncset.done $0x0  }
0xa0: {  	[sflag:s22] =	ssyncadd.s32 s3;
	_ =	sdelay $0x1  }
0xa1: {  	s23 =	simm.s32 $0x1B8B  }
0xa2: {  	_ =	swait.ge [sflag:s23], $0x1  }
0xa3: {  	[sflag:s23] =	ssyncset.done $0x0  }
0xa4: {  	s25 =	simm.s32 $0x1B8E;
	s24 =	sld [smem:$0x3FFE];
	[sflag:s23] =	ssyncadd.s32 $0xFFFFFFFF  }
0xa5: {  	s26 =	simm.s32 $execute0_lowered;
	[smem:$0x3FD2] =	sst s25  }
0xa6: {  	s4 =	sshll.u32 s26, $0x1;
	_ =	strace $0x80000049;
	[dreg:$0x1] =	wrdreg $0xFFFFFFFF  }
0xa7: {  	s28 =	simm.s32 $_size_execute0_lowered;
	s2 =	sadd.s32 s2, s4;
	[dreg:$0x0] =	wrdreg $0x0  }
0xa8: {  	s4 =	sshll.u32 s28, $0x1;
	[dreg:$0x2] =	wrdreg s2  }
0xa9: {  	[dreg:$0x3] =	wrdreg s4  }
0xaa: {  	[dreg:$0x4] =	wrdreg $0xC0  }
0xab: {  	_ =	task [dreg:s6], $0x5FFFF  }
0xac: {  	[dreg:$0x1] =	wrdreg $0xFFFFFFFF  }
0xad: {  	[dreg:$0x0] =	wrdreg $0x60  }
0xae: {  	[dreg:$0x2] =	wrdreg s24  }
0xaf: {  	[dreg:$0x3] =	wrdreg $0x2C000  }
0xb0: {  	[dreg:$0x4] =	wrdreg $0x9  }
0xb1: {  	_ =	task.clear_ibuf [dreg:s6], $0x5FFFF;
	_ =	strace $0x90000049  }
0xb2: {  	s29 =	simm.s32 $0x9;
	_ =	strace $0x8000004B  }
0xb3: {  	_ =	swait.ge [sflag:s29], $0x1  }
0xb4: {  	[sflag:s29] =	ssyncadd.s32 $0xFFFFFFFF  }
0xb5: {  	_ =	strace $0x9000004B  }
0xb6: {  	_ =	sfence  }
0xb7: {  	s30 =	sld [smem:$0x0];
	_ =	sdelay $0x2  }
0xb8: {  	s31 =	sshll.u32 s1, $0xD;
	s1 =	sshrl.u32 s1, $0x2  }
0xb9: {  	s3 =	sand.u32 $0x4000, s31;
	s1 =	sadd.s32 s1, s30  }
0xba: {  	s0 =	sor.u32 s3, s0;
	s1 =	sshll.u32 s1, $0x11  }
0xbb: {  	s0 =	sor.u32 s1, s0  }
0xbc: {  	s0 =	sadd.s32 $0x8F2B, s0  }
0xbd: {  	[sflag:s0] =	ssyncadd.remote.s32 $0x1  }
0xbe: {  	_ =	sfence.sel $0xFFFF  }
0xbf: {  	[dreg:$0x0] =	wrdreg $0xFFFFFFFF;
	(pc) =	sbr.abs _section_cstart, $3  }
0xc0: {  	[dreg:$0x1] =	wrdreg $0xFFFFFFFF  }
0xc1: {  	_ =	task.clear_ibuf [dreg:s6], $0x2FFFF;
	_ =	strace $0x9FFFFFFF  }
0xc2: {  	(tm) =	ssettm $0x7FFFFFFF  }
0xc3: {  	_ =	shalt  }
tec
execute0_lowered:
.L_overlay_start_1:
0x0: {  	(tag) =	ssettag $0x1  }
0x1: {  	s5 =	rddreg [dreg:$0x0]  }
0x2: {  	s1 =	rddreg [dreg:$0x1];
	s2 =	srdreg.scid  }
0x3: {  	s0 =	rddreg [dreg:$0x2];
	s6 =	sand.u32 $0x1, s2  }
0x4: {  	s2 =	stileid.u32;
	s7 =	smul.u32 $0x3E800, s6  }
0x5: {  	s3 =	simm.s32 $0x0;
	s13 =	simm.s32 $0x80;
	s14 =	smul.u32 $0x2780, s2  }
0x6: {  	[smem:$0x7FF] =	sst s3;
	s4 =	sadd.s32 $0xA7E00, s5;
	s8 =	smul.u32 $0x27800, s6  }
0x7: {  	_ =	strace $0x8000004A;
	s6 =	ssub.s32 $0x2, s6;
	s9 =	smul.u32 $0x4F000, s2  }
0x8: {  	s29 =	smul.u32 $0x3E80, s2;
	s30 =	sshll.u32 s2, $0x6;
	s26 =	sshrl.u32 s6, $0x1  }
0x9: {  	s7 =	sadd.s32 s7, s5;
	s10 =	sadd.s32 s14, s5;
	s8 =	sadd.s32 s8, s5  }
0xa: {  	s11 =	ssub.s32 s6, s26;
	s28 =	sshrl.u32 s9, $0x2;
	s6 =	sor.u32 $0x1C01, s30  }
0xb: {  	s12 =	sadd.s32 s28, s1;
	s5 =	sadd.s32 $0x80600, s10;
	s15 =	sadd.s32 $0xCF000, s8  }
0xc: {  	s31 =	sadd.s32 s29, s7;
	s7 =	smax.u32 s11, $0x1;
	s10 =	simm.s32 $0x1  }
0xd: {  	s11 =	simm.s32 $0x50;
	s8 =	sadd.s32 $0x3600, s31;
	s9 =	sshrl.u32 s12, $0x3  }
0xe: {  	s12 =	simm.s32 $0x400;
	s14 =	sadd.s32 s14, s15;
	s15 =	simm.s32 $0x0  }
.LBB2_1:
0xf: {  	[spmem:s9], [sflag:s6] =	dma.local [hbm:s5], $0x2780  }
0x10: {  	_ =	swait.ge [sflag:s10], $0x2780  }
0x11: {  	[sflag:s10] =	ssyncset.done $0x0  }
0x12: {  	[sflag:s10] =	ssyncadd.s32 $0xFFFFD880  }
0x13: {  	s16 =	sadd.s32 $0x0, s8;
	[bflag:$0x0] =	sbarrier.arrive $0xFFFF  }
0x14: {  	[tilespmem:s3], [sflag:$0x1] =	stream.linear.gather [hbm4b:s16+s3], $0x400, $0x38;
	[tilespmem:$0x16800] =	vst v63  }
0x15: {  	_ =	swait.ge [sflag:s10], $0x400  }
0x16: {  	[sflag:s10] =	ssyncset.done $0x0  }
0x17: {  	[sflag:s10] =	ssyncadd.s32 $0xFFFFFC00  }
0x18: {  	[tilespmem:s12], [sflag:$0x1] =	stream.indirect.gather [hbm4b:s4+s11], $0x80, s3, s11, $0xb8;
	[tilespmem:$0x16800] =	vst v63  }
0x19: {  	_ =	swait.ge [sflag:s10], $0x2800  }
0x1a: {  	[sflag:s10] =	ssyncset.done $0x0  }
0x1b: {  	[sflag:s10] =	ssyncadd.s32 $0xFFFFD800  }
0x1c: {  	[spmem:s1] =	stream.indirect.scatter.add.f32 [tilespmem:s12], [sflag:$0x1], $0x80, s13, s11, $0xb8;
	[tilespmem:$0x16800] =	vst v63  }
0x1d: {  	_ =	swait.ge [sflag:s10], $0x2800  }
0x1e: {  	s17 =	simm.s32 $0x100;
	s16 =	simm.s32 $0x80;
	[sflag:s10] =	ssyncset.done $0x0  }
.LBB2_2:
0x1f: {  	s18 =	sadd.s32 s16, s8  }
0x20: {  	[sflag:s10] =	ssyncadd.s32 $0xFFFFD800;
	s16 =	smov.u32 s17;
	s19 =	sadd.s32 $0x80, s17  }
0x21: {  	[tilespmem:s3], [sflag:$0x1] =	stream.linear.gather [hbm4b:s18+s3], $0x400, $0x38;
	[tilespmem:$0x16800] =	vst v63  }
0x22: {  	p0 =	sne.s32 s17, $0x3E00;
	_ =	swait.ge [sflag:s10], $0x400  }
0x23: {  	[sflag:s10] =	ssyncset.done $0x0  }
0x24: {  	[sflag:s10] =	ssyncadd.s32 $0xFFFFFC00  }
0x25: {  	[tilespmem:s12], [sflag:$0x1] =	stream.indirect.gather [hbm4b:s4+s11], $0x80, s3, s11, $0xb8;
	[tilespmem:$0x16800] =	vst v63  }
0x26: {  	_ =	swait.ge [sflag:s10], $0x2800  }
.Ltmp0:
0x27: {  	[sflag:s10] =	ssyncset.done $0x0;
	(pc) =	sbr.rel @p0 .LBB2_2-.Ltmp0, $4  }
0x28: {  	[sflag:s10] =	ssyncadd.s32 $0xFFFFD800  }
0x29: {  	[spmem:s1] =	stream.indirect.scatter.add.f32 [tilespmem:s12], [sflag:$0x1], $0x80, s13, s11, $0xb8;
	[tilespmem:$0x16800] =	vst v63  }
0x2a: {  	_ =	swait.ge [sflag:s10], $0x2800  }
0x2b: {  	s17 =	smov.u32 s19;
	[sflag:s10] =	ssyncset.done $0x0  }
0x2c: {  	s16 =	sadd.s32 s16, s8;
	[sflag:s10] =	ssyncadd.s32 $0xFFFFD800  }
0x2d: {  	[tilespmem:s3], [sflag:$0x1] =	stream.linear.gather [hbm4b:s16+s3], $0x400, $0x38;
	[tilespmem:$0x16800] =	vst v63  }
0x2e: {  	_ =	swait.ge [sflag:s10], $0x400  }
0x2f: {  	[sflag:s10] =	ssyncset.done $0x0  }
0x30: {  	[sflag:s10] =	ssyncadd.s32 $0xFFFFFC00  }
0x31: {  	[tilespmem:s12], [sflag:$0x1] =	stream.indirect.gather [hbm4b:s4+s11], $0x80, s3, s11, $0xb8;
	[tilespmem:$0x16800] =	vst v63  }
0x32: {  	_ =	swait.ge [sflag:s10], $0x2800  }
0x33: {  	[sflag:s10] =	ssyncset.done $0x0  }
0x34: {  	[sflag:s10] =	ssyncadd.s32 $0xFFFFD800  }
0x35: {  	[spmem:s1] =	stream.indirect.scatter.add.f32 [tilespmem:s12], [sflag:$0x1], $0x80, s13, s11, $0xb8;
	[tilespmem:$0x16800] =	vst v63  }
0x36: {  	_ =	swait.ge [sflag:s10], $0x2800  }
0x37: {  	s15 =	sadd.s32 $0x1, s15;
	[sflag:s10] =	ssyncset.done $0x0  }
0x38: {  	p0 =	sne.s32 s15, s7;
	[sflag:s10] =	ssyncadd.s32 $0xFFFFD800  }
.Ltmp1:
0x39: {  	[bflag:$0x0] =	sbarrier.arrive $0xFFFF;
	(pc) =	sbr.rel @p0 .LBB2_1-.Ltmp1, $4  }
0x3a: {  	[hbm:s14], [sflag:s6] =	dma.local [spmem:s9], $0x2780  }
0x3b: {  	_ =	swait.ge [sflag:s10], $0x2780  }
0x3c: {  	[sflag:s10] =	ssyncset.done $0x0  }
0x3d: {  	[sflag:s10] =	ssyncadd.s32 $0xFFFFD880  }
0x3e: {  	_ =	sfence.sel $0x180000  }
0x3f: {  	[bflag:$0x0] =	sbarrier.arrive $0xFFFF  }
0x40: {  	p0 =	sne.s32 s2, $0x0;
	_ =	strace $0x9000004A  }
0x41: {  	s0 =	sadd.s32 @!p0 $0x100000, s0;
	[bflag:$0x2] =	sbarrier.arrive $0xFFFF  }
0x42: {  	[sflag:s0] =	ssyncadd.tile.s32 @!p0 $0x1;
	_ =	shalt  }
.Lfunc_end2:
_tile_overlayer_lowered:
.L_overlay_start_2:
0x43: {  	(tag) =	ssettag $0x2  }
0x44: {  	s0 =	rddreg [dreg:$0x0];
	s2 =	stileid.u32  }
0x45: {  	s1 =	rddreg [dreg:$0x1];
	p0 =	sne.s32 s2, $0x0  }
0x46: {  	s3 =	rddreg [dreg:$0x2];
	[bflag:$0x3] =	sbarrier.arrive $0xFFFF;
	s2 =	simm.s32 @!p0 $0x1C01  }
0x47: {  	[timem:s3], [sflag:s2] =	dma.local @!p0 [hbm:s0], s1  }
0x48: {  	s0 =	simm.s32 @!p0 $0x1  }
0x49: {  	_ =	swait.ge @!p0 [sflag:s0], s1  }
0x4a: {  	s1 =	ssub.s32 @!p0 $0x0, s1;
	[sflag:s0] =	ssyncset.done @!p0 $0x0  }
0x4b: {  	[sflag:s0] =	ssyncadd.s32 @!p0 s1  }
0x4c: {  	[bflag:$0x3] =	sbarrier.arrive $0xFFFF  }
0x4d: {  	_ =	shalt  }

// kernel: kernel.14.cloned.1.call-start
scs
__scs_entry_jumppad:
0x0: {  	(pc) =	sbr.rel $0x88, $3  }
0x1: {  	(tag) =	ssettag $0x0;
	lr =	simm.s32 $0x1  }
0x2: {  	[smem:$0x3F91] =	sst lr;
	_ =	strace $0xD0000000  }
0x3: {  	_ = 	snop  }
0x4: {  	_ = 	snop  }
0x5: {  	_ = 	snop  }
0x6: {  	_ = 	snop  }
0x7: {  	_ = 	snop  }
__scs_overlays_trampoline_lowered:
0x8: {  	[smem:$0x3FA0] =	sst s0  }
0x9: {  	[smem:$0x3FA1] =	sst s1  }
0xa: {  	[smem:$0x3FA2] =	sst s2  }
0xb: {  	[smem:$0x3FA3] =	sst s3  }
0xc: {  	[smem:$0x3FA4] =	sst s4  }
0xd: {  	[smem:$0x3FA5] =	sst s5  }
0xe: {  	[smem:$0x3FA6] =	sst s6  }
0xf: {  	[smem:$0x3FA7] =	sst s7  }
0x10: {  	[smem:$0x3FA8] =	sst s8  }
0x11: {  	[smem:$0x3FA9] =	sst s9;
	s0 =	simm.s32 @!p0 $0x0  }
0x12: {  	s1 =	sld [smem:$0x3F8F];
	s0 =	simm.s32 @p0 $0x1  }
0x13: {  	[smem:$0x3FAA] =	sst s0;
	s0 =	simm.s32 @!p1 $0x0  }
0x14: {  	s2 =	sld [smem:$0x3F8E];
	s0 =	simm.s32 @p1 $0x1  }
0x15: {  	[smem:$0x3FAB] =	sst s0;
	s0 =	simm.s32 @!p2 $0x0  }
0x16: {  	s3 =	sld [smem:$0x3FDB];
	s0 =	simm.s32 @p2 $0x1  }
0x17: {  	s4 =	simm.s32 $0x1BF5;
	[smem:$0x3FAD] =	sst s0  }
0x18: {  	s0 =	sld [smem:$0x3F90];
	_ =	swait.ge [sflag:s4], $0x0  }
0x19: {  	s7 =	sld [smem:$0x3F91]  }
0x1a: {  	s8 =	sadd.s32 $0xFFFFE003, lr  }
0x1b: {  	s9 =	sadd.s32 $0xFFFFFEF7, lr;
	s5 =	simm.s32 $0xFFFFFFFF;
	p2 =	slt.u32 s8, $0xFFFFF086  }
0x1c: {  	p1 =	slt.u32 s9, $0xF7A;
	s5 =	simm.s32 @!p2 $0x0  }
0x1d: {  	s5 =	simm.s32 @p1 $0x1;
	p0 =	seq.s32 s7, s2  }
0x1e: {  	s7 =	smul.u32 @!p0 $0xF7A, s2;
	p2 =	seq.s32 @!p0 s5, $0x0  }
0x1f: {  	s9 =	smul.u32 $0xF7A, s1;
	s8 =	simm.s32 @!p0 $0x1BF5;
	p2 =	por !p2, p0  }
0x20: {  	[sflag:s8] =	ssyncset.s32 @!p0 $0xFFFFF086;
	s6 =	sadd.s32 @!p0 s3, s7;
	s7 =	simm.s32 @!p0 $0x108  }
0x21: {  	s3 =	sadd.s32 s3, s9;
	s6 =	sadd.s32 @!p0 $0x88, s6;
	s7 =	simm.s32 @p2 $0x1082  }
0x22: {  	[simem:s7], [sflag:s8] =	dma.local @!p0 [hbm:s6], $0xF7A  }
0x23: {  	s9 =	sor.u32 $0xD0000000, s2;
	s6 =	simm.s32 $0x108;
	_ =	swait.ge @!p0 [sflag:s8], $0x0  }
0x24: {  	s3 =	sadd.s32 $0x88, s3;
	s6 =	simm.s32 @!p1 $0x1082;
	[sflag:s4] =	ssyncset.s32 $0xFFFFF086  }
0x25: {  	[simem:s6], [sflag:s4] =	dma.local [hbm:s3], $0xF7A  }
0x26: {  	[smem:$0x3F91] =	sst s1;
	(tag) =	ssettag s2;
	_ =	strace s9  }
0x27: {  	s1 =	sld [smem:$0x3FA1]  }
0x28: {  	s2 =	sld [smem:$0x3FA2]  }
0x29: {  	s4 =	sld [smem:$0x3FA4]  }
0x2a: {  	p0 =	seq.s32 s5, $0x0;
	s5 =	sld [smem:$0x3FA5]  }
0x2b: {  	s6 =	sld [smem:$0x3FA6]  }
0x2c: {  	s7 =	sld [smem:$0x3FA7]  }
0x2d: {  	s3 =	simm.s32 $0x108;
	s8 =	sld [smem:$0x3FA8]  }
0x2e: {  	s3 =	simm.s32 @!p0 $0x1082;
	s9 =	sld [smem:$0x3FA9]  }
0x2f: {  	lr =	sadd.s32 s0, s3;
	s0 =	sld [smem:$0x3FA0]  }
0x30: {  	s3 =	sld [smem:$0x3FA3]  }
0x31: {  	[smem:$0x3FAC] =	sst s10  }
0x32: {  	s10 =	sld [smem:$0x3FAA];
	_ =	sdelay $0x3  }
0x33: {  	p0 =	seq.s32 s10, $0x1;
	s10 =	sld [smem:$0x3FAC];
	_ =	sdelay $0x3  }
0x34: {  	[smem:$0x3FAC] =	sst s10  }
0x35: {  	s10 =	sld [smem:$0x3FAB];
	_ =	sdelay $0x3  }
0x36: {  	p1 =	seq.s32 s10, $0x1;
	s10 =	sld [smem:$0x3FAC];
	_ =	sdelay $0x3  }
0x37: {  	[smem:$0x3FAC] =	sst s10  }
0x38: {  	s10 =	sld [smem:$0x3FAD]  }
0x39: {  	_ = 	snop;
	(pc) =	sbr.ind lr, $3  }
0x3a: {  	_ = 	snop  }
0x3b: {  	_ = 	snop  }
0x3c: {  	p2 =	seq.s32 s10, $0x1;
	s10 =	sld [smem:$0x3FAC]  }
0x3d: {  	_ =	shalt  }
0x3e: {  	_ =	shalt  }
0x3f: {  	_ =	shalt  }
0x40: {  	_ =	shalt  }
0x41: {  	_ =	shalt  }
0x42: {  	_ =	shalt  }
0x43: {  	_ =	shalt  }
0x44: {  	_ =	shalt  }
0x45: {  	_ =	shalt  }
0x46: {  	_ =	shalt  }
0x47: {  	_ =	shalt  }
0x48: {  	_ =	shalt  }
0x49: {  	_ =	shalt  }
0x4a: {  	_ =	shalt  }
0x4b: {  	_ =	shalt  }
0x4c: {  	_ =	shalt  }
0x4d: {  	_ =	shalt  }
0x4e: {  	_ =	shalt  }
0x4f: {  	_ =	shalt  }
0x50: {  	_ =	shalt  }
0x51: {  	_ =	shalt  }
0x52: {  	_ =	shalt  }
0x53: {  	_ =	shalt  }
0x54: {  	_ =	shalt  }
0x55: {  	_ =	shalt  }
0x56: {  	_ =	shalt  }
0x57: {  	_ =	shalt  }
0x58: {  	_ =	shalt  }
0x59: {  	_ =	shalt  }
0x5a: {  	_ =	shalt  }
0x5b: {  	_ =	shalt  }
0x5c: {  	_ =	shalt  }
0x5d: {  	_ =	shalt  }
0x5e: {  	_ =	shalt  }
0x5f: {  	_ =	shalt  }
0x60: {  	_ =	shalt  }
0x61: {  	_ =	shalt  }
0x62: {  	_ =	shalt  }
0x63: {  	_ =	shalt  }
0x64: {  	_ =	shalt  }
0x65: {  	_ =	shalt  }
0x66: {  	_ =	shalt  }
0x67: {  	_ =	shalt  }
0x68: {  	_ =	shalt  }
0x69: {  	_ =	shalt  }
0x6a: {  	_ =	shalt  }
0x6b: {  	_ =	shalt  }
0x6c: {  	_ =	shalt  }
0x6d: {  	_ =	shalt  }
0x6e: {  	_ =	shalt  }
0x6f: {  	_ =	shalt  }
0x70: {  	_ =	shalt  }
0x71: {  	_ =	shalt  }
0x72: {  	_ =	shalt  }
0x73: {  	_ =	shalt  }
0x74: {  	_ =	shalt  }
0x75: {  	_ =	shalt  }
0x76: {  	_ =	shalt  }
0x77: {  	_ =	shalt  }
0x78: {  	_ =	shalt  }
0x79: {  	_ =	shalt  }
0x7a: {  	_ =	shalt  }
0x7b: {  	_ =	shalt  }
0x7c: {  	_ =	shalt  }
0x7d: {  	_ =	shalt  }
0x7e: {  	_ =	shalt  }
0x7f: {  	_ =	shalt  }
0x80: {  	_ =	shalt  }
0x81: {  	_ =	shalt  }
0x82: {  	_ =	shalt  }
0x83: {  	_ =	shalt  }
0x84: {  	_ =	shalt  }
0x85: {  	_ =	shalt  }
0x86: {  	_ =	shalt  }
0x87: {  	_ =	shalt  }
.Lfunc_end0:
.L_simem_size_0:
called_computation.2_lowered:
.L_overlay_start_0:
0x88: {  	s2 =	sld [smem:$0x3FD9]  }
0x89: {  	s3 =	sld [smem:$0x3FFE];
	_ =	sdelay $0x1  }
0x8a: {  	s1 =	srdreg.scid  }
0x8b: {  	s0 =	sand.u32 $0x1, s1  }
0x8c: {  	s16 =	sshll.u32 s0, $0xA;
	s2 =	sadd.s32 s3, s2  }
0x8d: {  	s2 =	sadd.s32 s2, s16  }
0x8e: {  	[smem:$0x3FB8] =	sst s2  }
0x8f: {  	_ = 	snop  }
0x90: {  	(tm) =	ssettm $0x1  }
0x91: {  	s17 =	sld [smem:$0x3FFB];
	_ =	sdelay $0x3  }
0x92: {  	_ =	strace s17  }
0x93: {  	s2 =	sld [smem:$0x3FFC];
	_ =	sdelay $0x3  }
0x94: {  	_ =	strace s2  }
0x95: {  	s2 =	sld [smem:$0x3FFD];
	_ =	sdelay $0x3  }
0x96: {  	_ =	strace s2  }
0x97: {  	_ =	strace $0x8FFFFFFF  }
0x98: {  	s18 =	sld [smem:$0x3FDB];
	_ =	sdelay $0x1  }
0x99: {  	s19 =	simm.s32 $_scs_section_size  }
0x9a: {  	s4 =	simm.s32 $_size__tile_overlayer_lowered;
	s5 =	simm.s32 $_tile_overlayer_lowered  }
0x9b: {  	s22 =	simm.s32 $0x1BFF;
	s21 =	sshll.u32 s5, $0x1;
	s2 =	sadd.s32 s19, s18  }
0x9c: {  	s6 =	simm.s32 $0x0;
	s20 =	sshll.u32 s4, $0x1;
	s4 =	sadd.s32 s21, s2  }
0x9d: {  	[timem:s6], [sflag:s22] =	dma.local [hbm:s4], s20  }
0x9e: {  	_ =	swait.ge [sflag:s22], s20  }
0x9f: {  	s3 =	ssub.s32 $0x0, s20;
	[sflag:s22] =	ssyncset.done $0x0  }
0xa0: {  	[sflag:s22] =	ssyncadd.s32 s3;
	_ =	sdelay $0x1  }
0xa1: {  	s23 =	simm.s32 $0x1B8B  }
0xa2: {  	_ =	swait.ge [sflag:s23], $0x1  }
0xa3: {  	[sflag:s23] =	ssyncset.done $0x0  }
0xa4: {  	s25 =	simm.s32 $0x1B8E;
	s24 =	sld [smem:$0x3FFE];
	[sflag:s23] =	ssyncadd.s32 $0xFFFFFFFF  }
0xa5: {  	s26 =	simm.s32 $execute0_lowered;
	[smem:$0x3FD2] =	sst s25  }
0xa6: {  	s4 =	sshll.u32 s26, $0x1;
	_ =	strace $0x8000004C;
	[dreg:$0x1] =	wrdreg $0xFFFFFFFF  }
0xa7: {  	s28 =	simm.s32 $_size_execute0_lowered;
	s2 =	sadd.s32 s2, s4;
	[dreg:$0x0] =	wrdreg $0x0  }
0xa8: {  	s4 =	sshll.u32 s28, $0x1;
	[dreg:$0x2] =	wrdreg s2  }
0xa9: {  	[dreg:$0x3] =	wrdreg s4  }
0xaa: {  	[dreg:$0x4] =	wrdreg $0xC0  }
0xab: {  	_ =	task [dreg:s6], $0x5FFFF  }
0xac: {  	[dreg:$0x1] =	wrdreg $0xFFFFFFFF  }
0xad: {  	[dreg:$0x0] =	wrdreg $0x60  }
0xae: {  	[dreg:$0x2] =	wrdreg s24  }
0xaf: {  	[dreg:$0x3] =	wrdreg $0x2C000  }
0xb0: {  	[dreg:$0x4] =	wrdreg $0x9  }
0xb1: {  	_ =	task.clear_ibuf [dreg:s6], $0x5FFFF;
	_ =	strace $0x9000004C  }
0xb2: {  	s29 =	simm.s32 $0x9;
	_ =	strace $0x8000004E  }
0xb3: {  	_ =	swait.ge [sflag:s29], $0x1  }
0xb4: {  	[sflag:s29] =	ssyncadd.s32 $0xFFFFFFFF  }
0xb5: {  	_ =	strace $0x9000004E  }
0xb6: {  	_ =	sfence  }
0xb7: {  	s30 =	sld [smem:$0x0];
	_ =	sdelay $0x2  }
0xb8: {  	s31 =	sshll.u32 s1, $0xD;
	s1 =	sshrl.u32 s1, $0x2  }
0xb9: {  	s3 =	sand.u32 $0x4000, s31;
	s1 =	sadd.s32 s1, s30  }
0xba: {  	s0 =	sor.u32 s3, s0;
	s1 =	sshll.u32 s1, $0x11  }
0xbb: {  	s0 =	sor.u32 s1, s0  }
0xbc: {  	s0 =	sadd.s32 $0x8F2B, s0  }
0xbd: {  	[sflag:s0] =	ssyncadd.remote.s32 $0x1  }
0xbe: {  	_ =	sfence.sel $0xFFFF  }
0xbf: {  	[dreg:$0x0] =	wrdreg $0xFFFFFFFF;
	(pc) =	sbr.abs _section_cstart, $3  }
0xc0: {  	[dreg:$0x1] =	wrdreg $0xFFFFFFFF  }
0xc1: {  	_ =	task.clear_ibuf [dreg:s6], $0x2FFFF;
	_ =	strace $0x9FFFFFFF  }
0xc2: {  	(tm) =	ssettm $0x7FFFFFFF  }
0xc3: {  	_ =	shalt  }
tec
execute0_lowered:
.L_overlay_start_1:
0x0: {  	(tag) =	ssettag $0x1  }
0x1: {  	s5 =	rddreg [dreg:$0x0]  }
0x2: {  	s1 =	rddreg [dreg:$0x1];
	s2 =	srdreg.scid  }
0x3: {  	s0 =	rddreg [dreg:$0x2];
	s6 =	sand.u32 $0x1, s2  }
0x4: {  	s2 =	stileid.u32;
	s7 =	smul.u32 $0x3E800, s6  }
0x5: {  	s3 =	simm.s32 $0x0;
	s13 =	simm.s32 $0x80;
	s14 =	smul.u32 $0x2780, s2  }
0x6: {  	[smem:$0x7FF] =	sst s3;
	s4 =	sadd.s32 $0xA7E00, s5;
	s8 =	smul.u32 $0x27800, s6  }
0x7: {  	_ =	strace $0x8000004D;
	s6 =	ssub.s32 $0x2, s6;
	s9 =	smul.u32 $0x4F000, s2  }
0x8: {  	s29 =	smul.u32 $0x3E80, s2;
	s30 =	sshll.u32 s2, $0x6;
	s26 =	sshrl.u32 s6, $0x1  }
0x9: {  	s7 =	sadd.s32 s7, s5;
	s10 =	sadd.s32 s14, s5;
	s8 =	sadd.s32 s8, s5  }
0xa: {  	s11 =	ssub.s32 s6, s26;
	s28 =	sshrl.u32 s9, $0x2;
	s6 =	sor.u32 $0x1C01, s30  }
0xb: {  	s12 =	sadd.s32 s28, s1;
	s5 =	sadd.s32 $0x80600, s10;
	s15 =	sadd.s32 $0xCF000, s8  }
0xc: {  	s31 =	sadd.s32 s29, s7;
	s7 =	smax.u32 s11, $0x1;
	s10 =	simm.s32 $0x1  }
0xd: {  	s11 =	simm.s32 $0x50;
	s8 =	sadd.s32 $0x3600, s31;
	s9 =	sshrl.u32 s12, $0x3  }
0xe: {  	s12 =	simm.s32 $0x400;
	s14 =	sadd.s32 s14, s15;
	s15 =	simm.s32 $0x0  }
.LBB2_1:
0xf: {  	[spmem:s9], [sflag:s6] =	dma.local [hbm:s5], $0x2780  }
0x10: {  	_ =	swait.ge [sflag:s10], $0x2780  }
0x11: {  	[sflag:s10] =	ssyncset.done $0x0  }
0x12: {  	[sflag:s10] =	ssyncadd.s32 $0xFFFFD880  }
0x13: {  	s16 =	sadd.s32 $0x0, s8;
	[bflag:$0x0] =	sbarrier.arrive $0xFFFF  }
0x14: {  	[tilespmem:s3], [sflag:$0x1] =	stream.linear.gather [hbm4b:s16+s3], $0x400, $0x38;
	[tilespmem:$0x16800] =	vst v63  }
0x15: {  	_ =	swait.ge [sflag:s10], $0x400  }
0x16: {  	[sflag:s10] =	ssyncset.done $0x0  }
0x17: {  	[sflag:s10] =	ssyncadd.s32 $0xFFFFFC00  }
0x18: {  	[tilespmem:s12], [sflag:$0x1] =	stream.indirect.gather [hbm4b:s4+s11], $0x80, s3, s11, $0xb8;
	[tilespmem:$0x16800] =	vst v63  }
0x19: {  	_ =	swait.ge [sflag:s10], $0x2800  }
0x1a: {  	[sflag:s10] =	ssyncset.done $0x0  }
0x1b: {  	[sflag:s10] =	ssyncadd.s32 $0xFFFFD800  }
0x1c: {  	[spmem:s1] =	stream.indirect.scatter.add.f32 [tilespmem:s12], [sflag:$0x1], $0x80, s13, s11, $0xb8;
	[tilespmem:$0x16800] =	vst v63  }
0x1d: {  	_ =	swait.ge [sflag:s10], $0x2800  }
0x1e: {  	s17 =	simm.s32 $0x100;
	s16 =	simm.s32 $0x80;
	[sflag:s10] =	ssyncset.done $0x0  }
.LBB2_2:
0x1f: {  	s18 =	sadd.s32 s16, s8  }
0x20: {  	[sflag:s10] =	ssyncadd.s32 $0xFFFFD800;
	s16 =	smov.u32 s17;
	s19 =	sadd.s32 $0x80, s17  }
0x21: {  	[tilespmem:s3], [sflag:$0x1] =	stream.linear.gather [hbm4b:s18+s3], $0x400, $0x38;
	[tilespmem:$0x16800] =	vst v63  }
0x22: {  	p0 =	sne.s32 s17, $0x3E00;
	_ =	swait.ge [sflag:s10], $0x400  }
0x23: {  	[sflag:s10] =	ssyncset.done $0x0  }
0x24: {  	[sflag:s10] =	ssyncadd.s32 $0xFFFFFC00  }
0x25: {  	[tilespmem:s12], [sflag:$0x1] =	stream.indirect.gather [hbm4b:s4+s11], $0x80, s3, s11, $0xb8;
	[tilespmem:$0x16800] =	vst v63  }
0x26: {  	_ =	swait.ge [sflag:s10], $0x2800  }
.Ltmp0:
0x27: {  	[sflag:s10] =	ssyncset.done $0x0;
	(pc) =	sbr.rel @p0 .LBB2_2-.Ltmp0, $4  }
0x28: {  	[sflag:s10] =	ssyncadd.s32 $0xFFFFD800  }
0x29: {  	[spmem:s1] =	stream.indirect.scatter.add.f32 [tilespmem:s12], [sflag:$0x1], $0x80, s13, s11, $0xb8;
	[tilespmem:$0x16800] =	vst v63  }
0x2a: {  	_ =	swait.ge [sflag:s10], $0x2800  }
0x2b: {  	s17 =	smov.u32 s19;
	[sflag:s10] =	ssyncset.done $0x0  }
0x2c: {  	s16 =	sadd.s32 s16, s8;
	[sflag:s10] =	ssyncadd.s32 $0xFFFFD800  }
0x2d: {  	[tilespmem:s3], [sflag:$0x1] =	stream.linear.gather [hbm4b:s16+s3], $0x400, $0x38;
	[tilespmem:$0x16800] =	vst v63  }
0x2e: {  	_ =	swait.ge [sflag:s10], $0x400  }
0x2f: {  	[sflag:s10] =	ssyncset.done $0x0  }
0x30: {  	[sflag:s10] =	ssyncadd.s32 $0xFFFFFC00  }
0x31: {  	[tilespmem:s12], [sflag:$0x1] =	stream.indirect.gather [hbm4b:s4+s11], $0x80, s3, s11, $0xb8;
	[tilespmem:$0x16800] =	vst v63  }
0x32: {  	_ =	swait.ge [sflag:s10], $0x2800  }
0x33: {  	[sflag:s10] =	ssyncset.done $0x0  }
0x34: {  	[sflag:s10] =	ssyncadd.s32 $0xFFFFD800  }
0x35: {  	[spmem:s1] =	stream.indirect.scatter.add.f32 [tilespmem:s12], [sflag:$0x1], $0x80, s13, s11, $0xb8;
	[tilespmem:$0x16800] =	vst v63  }
0x36: {  	_ =	swait.ge [sflag:s10], $0x2800  }
0x37: {  	s15 =	sadd.s32 $0x1, s15;
	[sflag:s10] =	ssyncset.done $0x0  }
0x38: {  	p0 =	sne.s32 s15, s7;
	[sflag:s10] =	ssyncadd.s32 $0xFFFFD800  }
.Ltmp1:
0x39: {  	[bflag:$0x0] =	sbarrier.arrive $0xFFFF;
	(pc) =	sbr.rel @p0 .LBB2_1-.Ltmp1, $4  }
0x3a: {  	[hbm:s14], [sflag:s6] =	dma.local [spmem:s9], $0x2780  }
0x3b: {  	_ =	swait.ge [sflag:s10], $0x2780  }
0x3c: {  	[sflag:s10] =	ssyncset.done $0x0  }
0x3d: {  	[sflag:s10] =	ssyncadd.s32 $0xFFFFD880  }
0x3e: {  	_ =	sfence.sel $0x180000  }
0x3f: {  	[bflag:$0x0] =	sbarrier.arrive $0xFFFF  }
0x40: {  	p0 =	sne.s32 s2, $0x0;
	_ =	strace $0x9000004D  }
0x41: {  	s0 =	sadd.s32 @!p0 $0x100000, s0;
	[bflag:$0x2] =	sbarrier.arrive $0xFFFF  }
0x42: {  	[sflag:s0] =	ssyncadd.tile.s32 @!p0 $0x1;
	_ =	shalt  }
.Lfunc_end2:
_tile_overlayer_lowered:
.L_overlay_start_2:
0x43: {  	(tag) =	ssettag $0x2  }
0x44: {  	s0 =	rddreg [dreg:$0x0];
	s2 =	stileid.u32  }
0x45: {  	s1 =	rddreg [dreg:$0x1];
	p0 =	sne.s32 s2, $0x0  }
0x46: {  	s3 =	rddreg [dreg:$0x2];
	[bflag:$0x3] =	sbarrier.arrive $0xFFFF;
	s2 =	simm.s32 @!p0 $0x1C01  }
0x47: {  	[timem:s3], [sflag:s2] =	dma.local @!p0 [hbm:s0], s1  }
0x48: {  	s0 =	simm.s32 @!p0 $0x1  }
0x49: {  	_ =	swait.ge @!p0 [sflag:s0], s1  }
0x4a: {  	s1 =	ssub.s32 @!p0 $0x0, s1;
	[sflag:s0] =	ssyncset.done @!p0 $0x0  }
0x4b: {  	[sflag:s0] =	ssyncadd.s32 @!p0 s1  }
0x4c: {  	[bflag:$0x3] =	sbarrier.arrive $0xFFFF  }
0x4d: {  	_ =	shalt  }

// kernel: kernel.8.cloned.1.call-start
scs
__scs_entry_jumppad:
0x0: {  	(pc) =	sbr.rel $0x88, $3  }
0x1: {  	(tag) =	ssettag $0x0;
	lr =	simm.s32 $0x1  }
0x2: {  	[smem:$0x3F91] =	sst lr;
	_ =	strace $0xD0000000  }
0x3: {  	_ = 	snop  }
0x4: {  	_ = 	snop  }
0x5: {  	_ = 	snop  }
0x6: {  	_ = 	snop  }
0x7: {  	_ = 	snop  }
__scs_overlays_trampoline_lowered:
0x8: {  	[smem:$0x3FA0] =	sst s0  }
0x9: {  	[smem:$0x3FA1] =	sst s1  }
0xa: {  	[smem:$0x3FA2] =	sst s2  }
0xb: {  	[smem:$0x3FA3] =	sst s3  }
0xc: {  	[smem:$0x3FA4] =	sst s4  }
0xd: {  	[smem:$0x3FA5] =	sst s5  }
0xe: {  	[smem:$0x3FA6] =	sst s6  }
0xf: {  	[smem:$0x3FA7] =	sst s7  }
0x10: {  	[smem:$0x3FA8] =	sst s8  }
0x11: {  	[smem:$0x3FA9] =	sst s9;
	s0 =	simm.s32 @!p0 $0x0  }
0x12: {  	s1 =	sld [smem:$0x3F8F];
	s0 =	simm.s32 @p0 $0x1  }
0x13: {  	[smem:$0x3FAA] =	sst s0;
	s0 =	simm.s32 @!p1 $0x0  }
0x14: {  	s2 =	sld [smem:$0x3F8E];
	s0 =	simm.s32 @p1 $0x1  }
0x15: {  	[smem:$0x3FAB] =	sst s0;
	s0 =	simm.s32 @!p2 $0x0  }
0x16: {  	s3 =	sld [smem:$0x3FDB];
	s0 =	simm.s32 @p2 $0x1  }
0x17: {  	s4 =	simm.s32 $0x1BF5;
	[smem:$0x3FAD] =	sst s0  }
0x18: {  	s0 =	sld [smem:$0x3F90];
	_ =	swait.ge [sflag:s4], $0x0  }
0x19: {  	s7 =	sld [smem:$0x3F91]  }
0x1a: {  	s8 =	sadd.s32 $0xFFFFE003, lr  }
0x1b: {  	s9 =	sadd.s32 $0xFFFFFEF7, lr;
	s5 =	simm.s32 $0xFFFFFFFF;
	p2 =	slt.u32 s8, $0xFFFFF086  }
0x1c: {  	p1 =	slt.u32 s9, $0xF7A;
	s5 =	simm.s32 @!p2 $0x0  }
0x1d: {  	s5 =	simm.s32 @p1 $0x1;
	p0 =	seq.s32 s7, s2  }
0x1e: {  	s7 =	smul.u32 @!p0 $0xF7A, s2;
	p2 =	seq.s32 @!p0 s5, $0x0  }
0x1f: {  	s9 =	smul.u32 $0xF7A, s1;
	s8 =	simm.s32 @!p0 $0x1BF5;
	p2 =	por !p2, p0  }
0x20: {  	[sflag:s8] =	ssyncset.s32 @!p0 $0xFFFFF086;
	s6 =	sadd.s32 @!p0 s3, s7;
	s7 =	simm.s32 @!p0 $0x108  }
0x21: {  	s3 =	sadd.s32 s3, s9;
	s6 =	sadd.s32 @!p0 $0x88, s6;
	s7 =	simm.s32 @p2 $0x1082  }
0x22: {  	[simem:s7], [sflag:s8] =	dma.local @!p0 [hbm:s6], $0xF7A  }
0x23: {  	s9 =	sor.u32 $0xD0000000, s2;
	s6 =	simm.s32 $0x108;
	_ =	swait.ge @!p0 [sflag:s8], $0x0  }
0x24: {  	s3 =	sadd.s32 $0x88, s3;
	s6 =	simm.s32 @!p1 $0x1082;
	[sflag:s4] =	ssyncset.s32 $0xFFFFF086  }
0x25: {  	[simem:s6], [sflag:s4] =	dma.local [hbm:s3], $0xF7A  }
0x26: {  	[smem:$0x3F91] =	sst s1;
	(tag) =	ssettag s2;
	_ =	strace s9  }
0x27: {  	s1 =	sld [smem:$0x3FA1]  }
0x28: {  	s2 =	sld [smem:$0x3FA2]  }
0x29: {  	s4 =	sld [smem:$0x3FA4]  }
0x2a: {  	p0 =	seq.s32 s5, $0x0;
	s5 =	sld [smem:$0x3FA5]  }
0x2b: {  	s6 =	sld [smem:$0x3FA6]  }
0x2c: {  	s7 =	sld [smem:$0x3FA7]  }
0x2d: {  	s3 =	simm.s32 $0x108;
	s8 =	sld [smem:$0x3FA8]  }
0x2e: {  	s3 =	simm.s32 @!p0 $0x1082;
	s9 =	sld [smem:$0x3FA9]  }
0x2f: {  	lr =	sadd.s32 s0, s3;
	s0 =	sld [smem:$0x3FA0]  }
0x30: {  	s3 =	sld [smem:$0x3FA3]  }
0x31: {  	[smem:$0x3FAC] =	sst s10  }
0x32: {  	s10 =	sld [smem:$0x3FAA];
	_ =	sdelay $0x3  }
0x33: {  	p0 =	seq.s32 s10, $0x1;
	s10 =	sld [smem:$0x3FAC];
	_ =	sdelay $0x3  }
0x34: {  	[smem:$0x3FAC] =	sst s10  }
0x35: {  	s10 =	sld [smem:$0x3FAB];
	_ =	sdelay $0x3  }
0x36: {  	p1 =	seq.s32 s10, $0x1;
	s10 =	sld [smem:$0x3FAC];
	_ =	sdelay $0x3  }
0x37: {  	[smem:$0x3FAC] =	sst s10  }
0x38: {  	s10 =	sld [smem:$0x3FAD]  }
0x39: {  	_ = 	snop;
	(pc) =	sbr.ind lr, $3  }
0x3a: {  	_ = 	snop  }
0x3b: {  	_ = 	snop  }
0x3c: {  	p2 =	seq.s32 s10, $0x1;
	s10 =	sld [smem:$0x3FAC]  }
0x3d: {  	_ =	shalt  }
0x3e: {  	_ =	shalt  }
0x3f: {  	_ =	shalt  }
0x40: {  	_ =	shalt  }
0x41: {  	_ =	shalt  }
0x42: {  	_ =	shalt  }
0x43: {  	_ =	shalt  }
0x44: {  	_ =	shalt  }
0x45: {  	_ =	shalt  }
0x46: {  	_ =	shalt  }
0x47: {  	_ =	shalt  }
0x48: {  	_ =	shalt  }
0x49: {  	_ =	shalt  }
0x4a: {  	_ =	shalt  }
0x4b: {  	_ =	shalt  }
0x4c: {  	_ =	shalt  }
0x4d: {  	_ =	shalt  }
0x4e: {  	_ =	shalt  }
0x4f: {  	_ =	shalt  }
0x50: {  	_ =	shalt  }
0x51: {  	_ =	shalt  }
0x52: {  	_ =	shalt  }
0x53: {  	_ =	shalt  }
0x54: {  	_ =	shalt  }
0x55: {  	_ =	shalt  }
0x56: {  	_ =	shalt  }
0x57: {  	_ =	shalt  }
0x58: {  	_ =	shalt  }
0x59: {  	_ =	shalt  }
0x5a: {  	_ =	shalt  }
0x5b: {  	_ =	shalt  }
0x5c: {  	_ =	shalt  }
0x5d: {  	_ =	shalt  }
0x5e: {  	_ =	shalt  }
0x5f: {  	_ =	shalt  }
0x60: {  	_ =	shalt  }
0x61: {  	_ =	shalt  }
0x62: {  	_ =	shalt  }
0x63: {  	_ =	shalt  }
0x64: {  	_ =	shalt  }
0x65: {  	_ =	shalt  }
0x66: {  	_ =	shalt  }
0x67: {  	_ =	shalt  }
0x68: {  	_ =	shalt  }
0x69: {  	_ =	shalt  }
0x6a: {  	_ =	shalt  }
0x6b: {  	_ =	shalt  }
0x6c: {  	_ =	shalt  }
0x6d: {  	_ =	shalt  }
0x6e: {  	_ =	shalt  }
0x6f: {  	_ =	shalt  }
0x70: {  	_ =	shalt  }
0x71: {  	_ =	shalt  }
0x72: {  	_ =	shalt  }
0x73: {  	_ =	shalt  }
0x74: {  	_ =	shalt  }
0x75: {  	_ =	shalt  }
0x76: {  	_ =	shalt  }
0x77: {  	_ =	shalt  }
0x78: {  	_ =	shalt  }
0x79: {  	_ =	shalt  }
0x7a: {  	_ =	shalt  }
0x7b: {  	_ =	shalt  }
0x7c: {  	_ =	shalt  }
0x7d: {  	_ =	shalt  }
0x7e: {  	_ =	shalt  }
0x7f: {  	_ =	shalt  }
0x80: {  	_ =	shalt  }
0x81: {  	_ =	shalt  }
0x82: {  	_ =	shalt  }
0x83: {  	_ =	shalt  }
0x84: {  	_ =	shalt  }
0x85: {  	_ =	shalt  }
0x86: {  	_ =	shalt  }
0x87: {  	_ =	shalt  }
.Lfunc_end0:
.L_simem_size_0:
called_computation_lowered:
.L_overlay_start_0:
0x88: {  	s2 =	sld [smem:$0x3FD9]  }
0x89: {  	s3 =	sld [smem:$0x3FFE];
	_ =	sdelay $0x1  }
0x8a: {  	s1 =	srdreg.scid  }
0x8b: {  	s0 =	sand.u32 $0x1, s1  }
0x8c: {  	s17 =	sshll.u32 s0, $0xA;
	s2 =	sadd.s32 s3, s2  }
0x8d: {  	s2 =	sadd.s32 s2, s17  }
0x8e: {  	[smem:$0x3FB8] =	sst s2  }
0x8f: {  	_ = 	snop  }
0x90: {  	s2 =	sld [smem:$0x3FC9];
	(tm) =	ssettm $0x1  }
0x91: {  	s18 =	sld [smem:$0x3FFB];
	_ =	sdelay $0x3  }
0x92: {  	_ =	strace s18  }
0x93: {  	s3 =	sld [smem:$0x3FFC];
	_ =	sdelay $0x3  }
0x94: {  	_ =	strace s3  }
0x95: {  	s3 =	sld [smem:$0x3FFD];
	_ =	sdelay $0x3  }
0x96: {  	_ =	strace s3  }
0x97: {  	_ =	strace $0x8FFFFFFF  }
0x98: {  	s19 =	sld [smem:$0x3FDB];
	_ =	sdelay $0x1  }
0x99: {  	s4 =	simm.s32 $_scs_section_size  }
0x9a: {  	s5 =	simm.s32 $_size__tile_overlayer_lowered;
	s6 =	simm.s32 $_tile_overlayer_lowered  }
0x9b: {  	s22 =	simm.s32 $0x1BFF;
	s21 =	sshll.u32 s6, $0x1;
	s3 =	sadd.s32 s4, s19  }
0x9c: {  	s7 =	simm.s32 $0x0;
	s20 =	sshll.u32 s5, $0x1;
	s5 =	sadd.s32 s21, s3  }
0x9d: {  	[timem:s7], [sflag:s22] =	dma.local [hbm:s5], s20  }
0x9e: {  	_ =	swait.ge [sflag:s22], s20  }
0x9f: {  	s4 =	ssub.s32 $0x0, s20;
	[sflag:s22] =	ssyncset.done $0x0  }
0xa0: {  	[sflag:s22] =	ssyncadd.s32 s4;
	_ =	sdelay $0x1  }
0xa1: {  	s23 =	simm.s32 $0x1B8B  }
0xa2: {  	_ =	swait.ge [sflag:s23], $0x1  }
0xa3: {  	[sflag:s23] =	ssyncset.done $0x0  }
0xa4: {  	s25 =	simm.s32 $0x1B8E;
	s24 =	sld [smem:$0x3FFE];
	[sflag:s23] =	ssyncadd.s32 $0xFFFFFFFF  }
0xa5: {  	s26 =	simm.s32 $execute0_lowered;
	[smem:$0x3FD2] =	sst s25  }
0xa6: {  	s5 =	sshll.u32 s26, $0x1;
	_ =	strace $0x80000046;
	[dreg:$0x1] =	wrdreg $0xFFFFFFFF  }
0xa7: {  	s28 =	simm.s32 $_size_execute0_lowered;
	s3 =	sadd.s32 s3, s5;
	[dreg:$0x0] =	wrdreg $0x0  }
0xa8: {  	s5 =	sshll.u32 s28, $0x1;
	[dreg:$0x2] =	wrdreg s3  }
0xa9: {  	[dreg:$0x3] =	wrdreg s5  }
0xaa: {  	[dreg:$0x4] =	wrdreg $0xC0  }
0xab: {  	_ =	task [dreg:s7], $0x5FFFF  }
0xac: {  	[dreg:$0x1] =	wrdreg $0xFFFFFFFF  }
0xad: {  	[dreg:$0x0] =	wrdreg $0x60  }
0xae: {  	[dreg:$0x2] =	wrdreg s2  }
0xaf: {  	[dreg:$0x3] =	wrdreg s24  }
0xb0: {  	[dreg:$0x4] =	wrdreg $0x2C000  }
0xb1: {  	[dreg:$0x5] =	wrdreg $0x9  }
0xb2: {  	_ =	task.clear_ibuf [dreg:s7], $0x6FFFF;
	_ =	strace $0x90000046  }
0xb3: {  	s29 =	simm.s32 $0x9;
	_ =	strace $0x80000048  }
0xb4: {  	_ =	swait.ge [sflag:s29], $0x1  }
0xb5: {  	[sflag:s29] =	ssyncadd.s32 $0xFFFFFFFF  }
0xb6: {  	_ =	strace $0x90000048  }
0xb7: {  	_ =	sfence  }
0xb8: {  	s30 =	sld [smem:$0x0];
	_ =	sdelay $0x2  }
0xb9: {  	s31 =	sshll.u32 s1, $0xD;
	s1 =	sshrl.u32 s1, $0x2  }
0xba: {  	s3 =	sand.u32 $0x4000, s31;
	s1 =	sadd.s32 s1, s30  }
0xbb: {  	s0 =	sor.u32 s3, s0;
	s1 =	sshll.u32 s1, $0x11  }
0xbc: {  	s0 =	sor.u32 s1, s0  }
0xbd: {  	s0 =	sadd.s32 $0x8F2B, s0  }
0xbe: {  	[sflag:s0] =	ssyncadd.remote.s32 $0x1  }
0xbf: {  	_ =	sfence.sel $0xFFFF  }
0xc0: {  	[dreg:$0x0] =	wrdreg $0xFFFFFFFF;
	(pc) =	sbr.abs _section_cstart, $3  }
0xc1: {  	[dreg:$0x1] =	wrdreg $0xFFFFFFFF  }
0xc2: {  	_ =	task.clear_ibuf [dreg:s7], $0x2FFFF;
	_ =	strace $0x9FFFFFFF  }
0xc3: {  	(tm) =	ssettm $0x7FFFFFFF  }
tec
execute0_lowered:
.L_overlay_start_1:
0x0: {  	(tag) =	ssettag $0x1  }
0x1: {  	s1 =	rddreg [dreg:$0x0]  }
0x2: {  	s5 =	rddreg [dreg:$0x1];
	s3 =	srdreg.scid  }
0x3: {  	s2 =	rddreg [dreg:$0x2];
	s6 =	sand.u32 $0x1, s3  }
0x4: {  	s3 =	stileid.u32;
	s7 =	smul.u32 $0x3E800, s6  }
0x5: {  	s0 =	rddreg [dreg:$0x3];
	s4 =	simm.s32 $0x0;
	s14 =	smul.u32 $0x2780, s3  }
0x6: {  	s13 =	simm.s32 $0x80;
	[smem:$0x7FF] =	sst s4;
	s8 =	smul.u32 $0x27800, s6  }
0x7: {  	_ =	strace $0x80000047;
	s6 =	ssub.s32 $0x2, s6;
	s9 =	smul.u32 $0x4F000, s3  }
0x8: {  	s29 =	smul.u32 $0x3E80, s3;
	s30 =	sshll.u32 s3, $0x6;
	s26 =	sshrl.u32 s6, $0x1  }
0x9: {  	s7 =	sadd.s32 s7, s5;
	s10 =	sadd.s32 s14, s5;
	s8 =	sadd.s32 s8, s5  }
0xa: {  	s11 =	ssub.s32 s6, s26;
	s28 =	sshrl.u32 s9, $0x2;
	s6 =	sor.u32 $0x1C01, s30  }
0xb: {  	s12 =	sadd.s32 s28, s2;
	s5 =	sadd.s32 $0x80600, s10;
	s15 =	sadd.s32 $0xA7E00, s8  }
0xc: {  	s31 =	sadd.s32 s29, s7;
	s7 =	smax.u32 s11, $0x1;
	s10 =	simm.s32 $0x1  }
0xd: {  	s11 =	simm.s32 $0x50;
	s8 =	sadd.s32 $0x3600, s31;
	s9 =	sshrl.u32 s12, $0x3  }
0xe: {  	s12 =	simm.s32 $0x400;
	s14 =	sadd.s32 s14, s15;
	s15 =	simm.s32 $0x0  }
.LBB2_1:
0xf: {  	[spmem:s9], [sflag:s6] =	dma.local [hbm:s5], $0x2780  }
0x10: {  	_ =	swait.ge [sflag:s10], $0x2780  }
0x11: {  	[sflag:s10] =	ssyncset.done $0x0  }
0x12: {  	[sflag:s10] =	ssyncadd.s32 $0xFFFFD880  }
0x13: {  	s16 =	sadd.s32 $0x0, s8;
	[bflag:$0x0] =	sbarrier.arrive $0xFFFF  }
0x14: {  	[tilespmem:s4], [sflag:$0x1] =	stream.linear.gather [hbm4b:s16+s4], $0x400, $0x38;
	[tilespmem:$0x16800] =	vst v63  }
0x15: {  	_ =	swait.ge [sflag:s10], $0x400  }
0x16: {  	[sflag:s10] =	ssyncset.done $0x0  }
0x17: {  	[sflag:s10] =	ssyncadd.s32 $0xFFFFFC00  }
0x18: {  	[tilespmem:s12], [sflag:$0x1] =	stream.indirect.gather [hbm4b:s1+s11], $0x80, s4, s11, $0xb8;
	[tilespmem:$0x16800] =	vst v63  }
0x19: {  	_ =	swait.ge [sflag:s10], $0x2800  }
0x1a: {  	[sflag:s10] =	ssyncset.done $0x0  }
0x1b: {  	[sflag:s10] =	ssyncadd.s32 $0xFFFFD800  }
0x1c: {  	[spmem:s2] =	stream.indirect.scatter.add.f32 [tilespmem:s12], [sflag:$0x1], $0x80, s13, s11, $0xb8;
	[tilespmem:$0x16800] =	vst v63  }
0x1d: {  	_ =	swait.ge [sflag:s10], $0x2800  }
0x1e: {  	s17 =	simm.s32 $0x100;
	s16 =	simm.s32 $0x80;
	[sflag:s10] =	ssyncset.done $0x0  }
.LBB2_2:
0x1f: {  	s18 =	sadd.s32 s16, s8  }
0x20: {  	[sflag:s10] =	ssyncadd.s32 $0xFFFFD800;
	s16 =	smov.u32 s17;
	s19 =	sadd.s32 $0x80, s17  }
0x21: {  	[tilespmem:s4], [sflag:$0x1] =	stream.linear.gather [hbm4b:s18+s4], $0x400, $0x38;
	[tilespmem:$0x16800] =	vst v63  }
0x22: {  	p0 =	sne.s32 s17, $0x3E00;
	_ =	swait.ge [sflag:s10], $0x400  }
0x23: {  	[sflag:s10] =	ssyncset.done $0x0  }
0x24: {  	[sflag:s10] =	ssyncadd.s32 $0xFFFFFC00  }
0x25: {  	[tilespmem:s12], [sflag:$0x1] =	stream.indirect.gather [hbm4b:s1+s11], $0x80, s4, s11, $0xb8;
	[tilespmem:$0x16800] =	vst v63  }
0x26: {  	_ =	swait.ge [sflag:s10], $0x2800  }
.Ltmp0:
0x27: {  	[sflag:s10] =	ssyncset.done $0x0;
	(pc) =	sbr.rel @p0 .LBB2_2-.Ltmp0, $4  }
0x28: {  	[sflag:s10] =	ssyncadd.s32 $0xFFFFD800  }
0x29: {  	[spmem:s2] =	stream.indirect.scatter.add.f32 [tilespmem:s12], [sflag:$0x1], $0x80, s13, s11, $0xb8;
	[tilespmem:$0x16800] =	vst v63  }
0x2a: {  	_ =	swait.ge [sflag:s10], $0x2800  }
0x2b: {  	s17 =	smov.u32 s19;
	[sflag:s10] =	ssyncset.done $0x0  }
0x2c: {  	s16 =	sadd.s32 s16, s8;
	[sflag:s10] =	ssyncadd.s32 $0xFFFFD800  }
0x2d: {  	[tilespmem:s4], [sflag:$0x1] =	stream.linear.gather [hbm4b:s16+s4], $0x400, $0x38;
	[tilespmem:$0x16800] =	vst v63  }
0x2e: {  	_ =	swait.ge [sflag:s10], $0x400  }
0x2f: {  	[sflag:s10] =	ssyncset.done $0x0  }
0x30: {  	[sflag:s10] =	ssyncadd.s32 $0xFFFFFC00  }
0x31: {  	[tilespmem:s12], [sflag:$0x1] =	stream.indirect.gather [hbm4b:s1+s11], $0x80, s4, s11, $0xb8;
	[tilespmem:$0x16800] =	vst v63  }
0x32: {  	_ =	swait.ge [sflag:s10], $0x2800  }
0x33: {  	[sflag:s10] =	ssyncset.done $0x0  }
0x34: {  	[sflag:s10] =	ssyncadd.s32 $0xFFFFD800  }
0x35: {  	[spmem:s2] =	stream.indirect.scatter.add.f32 [tilespmem:s12], [sflag:$0x1], $0x80, s13, s11, $0xb8;
	[tilespmem:$0x16800] =	vst v63  }
0x36: {  	_ =	swait.ge [sflag:s10], $0x2800  }
0x37: {  	s15 =	sadd.s32 $0x1, s15;
	[sflag:s10] =	ssyncset.done $0x0  }
0x38: {  	p0 =	sne.s32 s15, s7;
	[sflag:s10] =	ssyncadd.s32 $0xFFFFD800  }
.Ltmp1:
0x39: {  	[bflag:$0x0] =	sbarrier.arrive $0xFFFF;
	(pc) =	sbr.rel @p0 .LBB2_1-.Ltmp1, $4  }
0x3a: {  	[hbm:s14], [sflag:s6] =	dma.local [spmem:s9], $0x2780  }
0x3b: {  	_ =	swait.ge [sflag:s10], $0x2780  }
0x3c: {  	[sflag:s10] =	ssyncset.done $0x0  }
0x3d: {  	[sflag:s10] =	ssyncadd.s32 $0xFFFFD880  }
0x3e: {  	_ =	sfence.sel $0x180000  }
0x3f: {  	[bflag:$0x0] =	sbarrier.arrive $0xFFFF  }
0x40: {  	p0 =	sne.s32 s3, $0x0;
	_ =	strace $0x90000047  }
0x41: {  	s0 =	sadd.s32 @!p0 $0x100000, s0;
	[bflag:$0x2] =	sbarrier.arrive $0xFFFF  }
0x42: {  	[sflag:s0] =	ssyncadd.tile.s32 @!p0 $0x1;
	_ =	shalt  }
.Lfunc_end2:
_tile_overlayer_lowered:
.L_overlay_start_2:
0x43: {  	(tag) =	ssettag $0x2  }
0x44: {  	s0 =	rddreg [dreg:$0x0];
	s2 =	stileid.u32  }
0x45: {  	s1 =	rddreg [dreg:$0x1];
	p0 =	sne.s32 s2, $0x0  }
0x46: {  	s3 =	rddreg [dreg:$0x2];
	[bflag:$0x3] =	sbarrier.arrive $0xFFFF;
	s2 =	simm.s32 @!p0 $0x1C01  }
0x47: {  	[timem:s3], [sflag:s2] =	dma.local @!p0 [hbm:s0], s1  }
0x48: {  	s0 =	simm.s32 @!p0 $0x1  }
0x49: {  	_ =	swait.ge @!p0 [sflag:s0], s1  }
0x4a: {  	s1 =	ssub.s32 @!p0 $0x0, s1;
	[sflag:s0] =	ssyncset.done @!p0 $0x0  }
0x4b: {  	[sflag:s0] =	ssyncadd.s32 @!p0 s1  }
0x4c: {  	[bflag:$0x3] =	sbarrier.arrive $0xFFFF  }
0x4d: {  	_ =	shalt  }

</sc_bundles>
